<compile_context>
chip_gen: v7x
topology: tpu7x:2x2x1
jax: 0.10.2.dev20260603
libtpu: 0.0.44.dev20260713+nightly
codegen_flags: <defaults>
</compile_context>

<pallas_src>
import functools

import jax
import jax.numpy as jnp
from jax import lax
from jax.experimental import pallas as pl
from jax.experimental.pallas import tpu as pltpu
from jax.experimental.pallas import tpu_sc as plsc

_NC, _NS = 2, 16
_NW = _NC * _NS


def _pair_reduce_body(U_hbm, V_hbm, r_hbm, s_hbm, bias_hbm, out_hbm,
                      r_v, s_v, bufU, bufV, bias_v, stage, sem):
    P = 128
    CHUNKS = 4608 // P
    wid = lax.axis_index("s") * _NC + lax.axis_index("c")
    base = wid * 4608

    pltpu.sync_copy(bias_hbm, bias_v)
    pltpu.sync_copy(r_hbm.at[pl.ds(base, 4608)], r_v)
    pltpu.sync_copy(s_hbm.at[pl.ds(base, 4608)], s_v)
    zero = jnp.zeros((16,), jnp.float32)
    for c in range(8):
        stage[pl.ds(c * 16, 16)] = zero

    bias_r = [bias_v[pl.ds(c * 16, 16)] for c in range(8)]

    def gathers(g, par):
        return (pltpu.make_async_copy(U_hbm.at[r_v.at[pl.ds(g * P, P)]],
                                      bufU.at[par], sem),
                pltpu.make_async_copy(V_hbm.at[s_v.at[pl.ds(g * P, P)]],
                                      bufV.at[par], sem))

    def compute(par):
        def pair_body(p, accs):
            new = []
            for c in range(8):
                u = bufU[par, p, pl.ds(c * 16, 16)]
                v = bufV[par, p, pl.ds(c * 16, 16)]
                x = (u - v if c < 4 else v - u) + bias_r[c]
                x = jnp.where(x > 0, x, 0.01 * x)
                new.append(accs[c] + x)
            return tuple(new)

        accs = lax.fori_loop(0, P, pair_body, tuple(zero for _ in range(8)))
        for c in range(8):
            stage[pl.ds(c * 16, 16)] += accs[c]

    for cp in gathers(0, 0):
        cp.start()

    def outer(bb, carry):
        for par in range(2):
            g = bb * 2 + par

            @pl.when(g + 1 < CHUNKS)
            def _():
                for cp in gathers(g + 1, (par + 1) % 2):
                    cp.start()

            for cp in gathers(g, par):
                cp.wait()
            compute(par)
        return carry

    lax.fori_loop(0, CHUNKS // 2, outer, 0)
    pltpu.sync_copy(stage, out_hbm.at[wid])


def _pair_reduce(U, V, r_idx, s_idx, bias_cat):
    mesh = plsc.VectorSubcoreMesh(core_axis_name="c", subcore_axis_name="s")
    f = functools.partial(
        pl.kernel, mesh=mesh,
        out_type=jax.ShapeDtypeStruct((_NW, 128), jnp.float32),
        scratch_types=[
            pltpu.VMEM((4608,), jnp.int32),
            pltpu.VMEM((4608,), jnp.int32),
            pltpu.VMEM((2, 128, 128), jnp.float32),
            pltpu.VMEM((2, 128, 128), jnp.float32),
            pltpu.VMEM((128,), jnp.float32),
            pltpu.VMEM((128,), jnp.float32),
            pltpu.SemaphoreType.DMA,
        ],
    )(_pair_reduce_body)
    return f(U, V, r_idx, s_idx, bias_cat)


def _prep_body(rgb_ref, ir_ref, l0_ref, l1_ref, wsr_ref, wr2t_ref, wsi_ref,
               wi2t_ref, hr_ref, xnr_ref, dr_ref, hi_ref, xni_ref, di_ref,
               ut_ref, vt_ref):
    l0 = l0_ref[...]
    l1 = l1_ref[...]
    dg = lambda a, b: lax.dot_general(a, b, (((1,), (1,)), ((), ())),
                                      preferred_element_type=jnp.float32)

    def pool_norm(xm, h_ref, xn_ref, d_ref):
        tm = jnp.maximum(dg(xm, l0), dg(xm, l1))
        p = jnp.maximum(dg(tm, l0), dg(tm, l1))
        nrm = jnp.sqrt(jnp.sum(p * p, axis=0, keepdims=True))
        xn = p / jnp.maximum(nrm, 1e-12)
        h_ref[0] = p
        xn_ref[0] = xn
        d_ref[0] = jnp.sum(xn * xn, axis=0, keepdims=True)
        return p

    pr = pool_norm(rgb_ref[0], hr_ref, xnr_ref, dr_ref)
    pi = pool_norm(ir_ref[0], hi_ref, xni_ref, di_ref)

    @pl.when(pl.program_id(0) == 0)
    def _():
        dgc = lambda w, p: lax.dot_general(w, p, (((1,), (0,)), ((), ())),
                                           preferred_element_type=jnp.float32)
        ut_ref[...] = jnp.concatenate([dgc(wsr_ref[...], pr),
                                       dgc(wi2t_ref[...], pr)], axis=0)
        vt_ref[...] = jnp.concatenate([dgc(wr2t_ref[...], pi),
                                       dgc(wsi_ref[...], pi)], axis=0)


def _prep(rgb, ir, l0, l1, wsr, wr2t, wsi, wi2t):
    blk = pl.BlockSpec((1, 64, 48, 48), lambda i: (i, 0, 0, 0))
    dblk = pl.BlockSpec((1, 1, 48, 48), lambda i: (i, 0, 0, 0))
    wblk = pl.BlockSpec((64, 64), lambda i: (0, 0))
    tblk = pl.BlockSpec((128, 48, 48), lambda i: (0, 0, 0))
    f4 = jax.ShapeDtypeStruct((4, 64, 48, 48), jnp.float32)
    d4 = jax.ShapeDtypeStruct((4, 1, 48, 48), jnp.float32)
    t4 = jax.ShapeDtypeStruct((128, 48, 48), jnp.float32)
    return pl.pallas_call(
        _prep_body,
        grid=(4,),
        in_specs=[pl.BlockSpec((1, 64, 96, 96), lambda i: (i, 0, 0, 0)),
                  pl.BlockSpec((1, 64, 96, 96), lambda i: (i, 0, 0, 0)),
                  pl.BlockSpec((48, 96), lambda i: (0, 0)),
                  pl.BlockSpec((48, 96), lambda i: (0, 0)),
                  wblk, wblk, wblk, wblk],
        out_specs=[blk, blk, dblk, blk, blk, dblk, tblk, tblk],
        out_shape=[f4, f4, d4, f4, f4, d4, t4, t4],
    )(rgb, ir, l0, l1, wsr, wr2t, wsi, wi2t)


_SRB = 384


def _extract16(xnq, xn, d):
    u = 2.0 * lax.dot_general(xnq, xn, (((0,), (0,)), ((), ())),
                              preferred_element_type=jnp.float32)
    u = u - d
    v = lax.bitcast_convert_type(u, jnp.int32)
    key = jnp.where(v < 0, v ^ jnp.int32(0x7FFFFFFF), v) >> 12
    iota_l = lax.broadcasted_iota(jnp.int32, (_SRB, 2304), 1)
    p = key * 4096 + (4095 - iota_l)
    minv = jnp.int32(-2147483648)
    cols = []
    for _ in range(16):
        m = jnp.max(p, axis=1, keepdims=True)
        cols.append(4095 - (m & 4095))
        p = jnp.where(p == m, minv, p)
    return jnp.concatenate(cols, axis=1)


def _score_topk_body(xnqr_ref, xnr_ref, dr_ref, xnqi_ref, xni_ref, di_ref,
                     idxr_ref, idxi_ref):
    idxr_ref[0] = _extract16(xnqr_ref[0], xnr_ref[0], dr_ref[0])
    idxi_ref[0] = _extract16(xnqi_ref[0], xni_ref[0], di_ref[0])


def _score_topk(xnr, dr, xni, di):
    nrb = 2304 // _SRB
    qblk = pl.BlockSpec((1, 64, _SRB), lambda i, j: (i, 0, j))
    fblk = pl.BlockSpec((1, 64, 2304), lambda i, j: (i, 0, 0))
    dblk = pl.BlockSpec((1, 1, 2304), lambda i, j: (i, 0, 0))
    oblk = pl.BlockSpec((1, _SRB, 16), lambda i, j: (i, j, 0))
    oshape = jax.ShapeDtypeStruct((4, 2304, 16), jnp.int32)
    return pl.pallas_call(
        _score_topk_body,
        grid=(4, nrb),
        in_specs=[qblk, fblk, dblk, qblk, fblk, dblk],
        out_specs=[oblk, oblk],
        out_shape=[oshape, oshape],
    )(xnr, xnr, dr, xni, xni, di)


def _finish_body(concat_ref, w1t_ref, b1_ref, w2t_ref, b2_ref, g1_ref, g2_ref,
                 hr_ref, hi_ref, out_ref):
    c = concat_ref[0]
    z1 = jnp.dot(w1t_ref[...], c, preferred_element_type=jnp.float32) + b1_ref[...]
    z1 = jnp.where(z1 > 0, z1, 0.01 * z1)
    z2 = jnp.dot(w2t_ref[...], z1, preferred_element_type=jnp.float32) + b2_ref[...]
    se = jax.nn.sigmoid(z2)
    g1 = g1_ref[0, 0]
    g2 = g2_ref[0, 0]
    h = g1 * se * hr_ref[0] + g2 * (1.0 - se) * hi_ref[0]
    out_ref[0] = jnp.maximum(h, 0.0)


def _finish(concat_t, W_se1, b_se1, W_se2, b_se2, gamma1, gamma2, h_rgb, h_ir):
    N = 4
    w1t = W_se1.T
    b1 = b_se1.reshape(4, 1)
    w2t = W_se2.T
    b2 = b_se2.reshape(64, 1)
    g1 = gamma1.reshape(1, 1)
    g2 = gamma2.reshape(1, 1)
    return pl.pallas_call(
        _finish_body,
        grid=(N,),
        in_specs=[
            pl.BlockSpec((1, 128, 1), lambda i: (i, 0, 0)),
            pl.BlockSpec((4, 128), lambda i: (0, 0)),
            pl.BlockSpec((4, 1), lambda i: (0, 0)),
            pl.BlockSpec((64, 4), lambda i: (0, 0)),
            pl.BlockSpec((64, 1), lambda i: (0, 0)),
            pl.BlockSpec((1, 1), lambda i: (0, 0)),
            pl.BlockSpec((1, 1), lambda i: (0, 0)),
            pl.BlockSpec((1, 64, 2304), lambda i: (i, 0, 0)),
            pl.BlockSpec((1, 64, 2304), lambda i: (i, 0, 0)),
        ],
        out_specs=pl.BlockSpec((1, 64, 2304), lambda i: (i, 0, 0)),
        out_shape=jax.ShapeDtypeStruct((N, 64, 2304), jnp.float32),
    )(concat_t, w1t, b1, w2t, b2, g1, g2, h_rgb, h_ir)


def kernel(rgb, ir, W_rgb_g, b_rgb_g, W_ir_g, b_ir_g, W_se1, b_se1, W_se2,
           b_se2, gamma1, gamma2, gnn_iterations, k):
    N, C = 4, 64
    H = W = 48
    HW = H * W
    K = 16

    dep = (k - K) + (gnn_iterations - 1)

    eye = jnp.eye(48, dtype=jnp.float32)
    z48 = jnp.zeros((48, 48), jnp.float32)
    l0 = jnp.stack([eye, z48], axis=2).reshape(48, 96)
    l1 = jnp.stack([z48, eye], axis=2).reshape(48, 96)
    Wr1, Wr2 = W_rgb_g[:C], W_rgb_g[C:]
    Wi1, Wi2 = W_ir_g[:C], W_ir_g[C:]
    hr4, xnr, dr, hi4, xni, di, Ut, Vt = _prep(
        rgb, ir, l0, l1, (Wr1 + Wr2).T, Wr2.T, (Wi1 + Wi2).T, Wi2.T)
    h_rgb = hr4.reshape(N, C, HW)
    h_ir = hi4.reshape(N, C, HW)
    U = Ut.reshape(2 * C, HW).T
    V = Vt.reshape(2 * C, HW).T

    idx_r, idx_i = _score_topk(xnr.reshape(N, C, HW), dr.reshape(N, 1, HW),
                               xni.reshape(N, C, HW), di.reshape(N, 1, HW))
    rgb_knn = jnp.clip(idx_r.reshape(-1) + dep, 0, HW - 1)
    ir_knn = jnp.clip(idx_i.reshape(-1) + dep, 0, HW - 1)

    bias_cat = jnp.concatenate([b_rgb_g, b_ir_g])
    partials = _pair_reduce(U, V, rgb_knn.astype(jnp.int32),
                            ir_knn.astype(jnp.int32), bias_cat)
    concat_t = (partials.reshape(N, 8, 2 * C).sum(axis=1)
                / (HW * K)).reshape(N, 2 * C, 1)

    out = _finish(concat_t, W_se1, b_se1, W_se2, b_se2, gamma1, gamma2,
                  h_rgb, h_ir)
    return out.reshape(N, C, H, W)

# --- scband reference (transcript-rebuilt; emitter-appended) ---
"""Pipeline reference for scband-enet-gnn-69810398429294 (READ-ONLY COPY).

The authoritative reference and input builder live on the scoring server;
editing this copy changes nothing except your own understanding.
"""

import jax, jax.numpy as jnp
import numpy as np


def setup_inputs(seed: int = 0) -> dict:
    key = jax.random.key(seed)
    ks = jax.random.split(key, 8)
    C = 64
    s = 0.05
    rgb = jax.random.normal(ks[0], (4, C, 96, 96), dtype=jnp.float32)
    ir = jax.random.normal(ks[1], (4, C, 96, 96), dtype=jnp.float32)
    W_rgb_g = jax.random.normal(ks[2], (2 * C, C), dtype=jnp.float32) * s
    b_rgb_g = jnp.zeros((C,), jnp.float32)
    W_ir_g = jax.random.normal(ks[3], (2 * C, C), dtype=jnp.float32) * s
    b_ir_g = jnp.zeros((C,), jnp.float32)
    W_se1 = jax.random.normal(ks[4], (2 * C, C // 16), dtype=jnp.float32) * s
    b_se1 = jnp.zeros((C // 16,), jnp.float32)
    W_se2 = jax.random.normal(ks[5], (C // 16, C), dtype=jnp.float32) * s
    b_se2 = jnp.zeros((C,), jnp.float32)
    gamma1 = jnp.ones((1,), jnp.float32)
    gamma2 = jnp.ones((1,), jnp.float32)
    return {"rgb": rgb, "ir": ir, "W_rgb_g": W_rgb_g, "b_rgb_g": b_rgb_g, "W_ir_g": W_ir_g, "b_ir_g": b_ir_g, "W_se1": W_se1, "b_se1": b_se1, "W_se2": W_se2, "b_se2": b_se2, "gamma1": gamma1, "gamma2": gamma2, "gnn_iterations": 1, "k": 16}


def _maxpool2(x):
    N, C, H, W = x.shape
    return x.reshape(N, C, H // 2, 2, W // 2, 2).max(axis=(3, 5))


def _normalize(x):
    return x / jnp.maximum(jnp.linalg.norm(x, axis=-1, keepdims=True), 1e-12)


def reference(rgb, ir, W_rgb_g, b_rgb_g, W_ir_g, b_ir_g, W_se1, b_se1, W_se2, b_se2, gamma1, gamma2, gnn_iterations, k):
    rgb = _maxpool2(rgb)
    ir = _maxpool2(ir)
    N, C, H, W = rgb.shape
    HW = H * W
    rgb_t = jnp.transpose(rgb.reshape(N, C, HW), (0, 2, 1))
    ir_t = jnp.transpose(ir.reshape(N, C, HW), (0, 2, 1))

    k_static = 16
    iters_static = 1
    dep_zero = (k - k_static) + (gnn_iterations - iters_static)

    def knn(x):
        r = x @ x.T
        d = jnp.diag(r)
        D = jnp.sqrt(jnp.maximum(d[None, :] + d[:, None] - 2.0 * r, 0.0))
        _, idx = jax.lax.top_k(-D, k_static)
        return idx + dep_zero

    rgb_knn = jax.vmap(knn)(_normalize(rgb_t)).reshape(-1)
    ir_knn = jax.vmap(knn)(_normalize(ir_t)).reshape(-1)

    h_rgb = rgb_t.reshape(N * HW, C)
    h_ir = ir_t.reshape(N * HW, C)
    lrelu = lambda x: jax.nn.leaky_relu(x, 0.01)
    h = None
    for _ in range(iters_static):
        nb_rgb = jnp.take(h_rgb, rgb_knn, axis=0).reshape(N * HW, k_static, C)
        nb_ir = jnp.take(h_ir, ir_knn, axis=0).reshape(N * HW, k_static, C)
        rgb_f = lrelu(jnp.concatenate([nb_rgb, nb_rgb - nb_ir], axis=-1) @ W_rgb_g + b_rgb_g)
        ir_f = lrelu(jnp.concatenate([nb_ir, nb_ir - nb_rgb], axis=-1) @ W_ir_g + b_ir_g)
        m_rgb = rgb_f.mean(axis=1)
        m_ir = ir_f.mean(axis=1)
        concat = jnp.concatenate([m_rgb, m_ir], axis=1).reshape(N, HW, 2 * C).mean(axis=1, keepdims=True)
        se = jax.nn.sigmoid(lrelu(concat @ W_se1 + b_se1) @ W_se2 + b_se2)
        h_rgb_b = se * h_rgb.reshape(N, HW, C)
        h_ir_b = (1.0 - se) * h_ir.reshape(N, HW, C)
        h = gamma1 * h_rgb_b + gamma2 * h_ir_b
        h_rgb = h_rgb_b
        h_ir = h_ir_b
    out = jnp.transpose(h.reshape(N, H, W, C), (0, 3, 1, 2))
    return jax.nn.relu(out)

if __name__ == "__main__":
    import jax
    _d = setup_inputs()
    print(jax.jit(kernel)(*tuple(_d.values())))

</pallas_src>

<mosaic_0001>
#map = affine_map<(d0, d1) -> (0, 0)>
#map1 = affine_map<(d0, d1) -> (0)>
module attributes {stable_mosaic.version = 14 : i64} {
  func.func @_pair_reduce_body(%arg0: i32, %arg1: i32, %arg2: memref<2304x128xf32, #tpu.memory_space<hbm>>, %arg3: memref<2304x128xf32, #tpu.memory_space<hbm>>, %arg4: memref<147456xi32, #tpu.memory_space<hbm>>, %arg5: memref<147456xi32, #tpu.memory_space<hbm>>, %arg6: memref<128xf32, #tpu.memory_space<hbm>>, %arg7: memref<32x128xf32, #tpu.memory_space<hbm>>, %arg8: memref<4608xi32, #tpu.memory_space<vmem>>, %arg9: memref<4608xi32, #tpu.memory_space<vmem>>, %arg10: memref<2x128x128xf32, #tpu.memory_space<vmem>>, %arg11: memref<2x128x128xf32, #tpu.memory_space<vmem>>, %arg12: memref<128xf32, #tpu.memory_space<vmem>>, %arg13: memref<128xf32, #tpu.memory_space<vmem>>, %arg14: memref<!tpu.dma_semaphore, #tpu.memory_space<semaphore_mem>>) attributes {dimension_semantics = [#tpu.dimension_semantics<core_parallel>, #tpu.dimension_semantics<subcore_parallel>], iteration_bounds = array<i64: 2, 16>, scalar_prefetch = 0 : i64, scratch_operands = 7 : i64, tpu.core_type = #tpu.core_type<sc_vector_subcore>, window_params = [{transform_indices = #map}, {transform_indices = #map}, {transform_indices = #map1}, {transform_indices = #map1}, {transform_indices = #map1}, {transform_indices = #map}]} {
    %mul3A = arith.constant 2 : i32
    %mul3A_0 = arith.muli %arg1, %mul3A : i32
    %add3A = arith.addi %mul3A_0, %arg0 : i32
    %mul3A_1 = arith.constant 4608 : i32
    %mul3A_2 = arith.muli %add3A, %mul3A_1 : i32
    "tpu.region"() ({
      %run_scoped3A = tpu.sem_alloc : memref<!tpu.dma_semaphore, #tpu.memory_space<semaphore_mem>>
      tpu.enqueue_dma source(%arg6 : memref<128xf32, #tpu.memory_space<hbm>>) target(%arg12 : memref<128xf32, #tpu.memory_space<vmem>>) target_semaphore(%run_scoped3A : memref<!tpu.dma_semaphore, #tpu.memory_space<semaphore_mem>>)
      tpu.wait_dma2 semaphore(%run_scoped3A : memref<!tpu.dma_semaphore, #tpu.memory_space<semaphore_mem>>) src(%arg6 : memref<128xf32, #tpu.memory_space<hbm>>) dst(%arg12 : memref<128xf32, #tpu.memory_space<vmem>>)
      tpu.yield
    }) : () -> ()
    "tpu.region"() ({
      %run_scoped3A = tpu.sem_alloc : memref<!tpu.dma_semaphore, #tpu.memory_space<semaphore_mem>>
      %dma_start3A_82 = tpu.memref_slice %arg4[%mul3A_2] : memref<147456xi32, #tpu.memory_space<hbm>> -> memref<4608xi32, #tpu.memory_space<hbm>>
      %dma_start3A_83 = tpu.memref_slice %arg4[%mul3A_2] : memref<147456xi32, #tpu.memory_space<hbm>> -> memref<4608xi32, #tpu.memory_space<hbm>>
      tpu.enqueue_dma source(%dma_start3A_83 : memref<4608xi32, #tpu.memory_space<hbm>>) target(%arg8 : memref<4608xi32, #tpu.memory_space<vmem>>) target_semaphore(%run_scoped3A : memref<!tpu.dma_semaphore, #tpu.memory_space<semaphore_mem>>)
      %dma_wait3A = tpu.memref_slice %arg4[%mul3A_2] : memref<147456xi32, #tpu.memory_space<hbm>> -> memref<4608xi32, #tpu.memory_space<hbm>>
      %dma_wait3A_84 = tpu.memref_slice %arg4[%mul3A_2] : memref<147456xi32, #tpu.memory_space<hbm>> -> memref<4608xi32, #tpu.memory_space<hbm>>
      tpu.wait_dma2 semaphore(%run_scoped3A : memref<!tpu.dma_semaphore, #tpu.memory_space<semaphore_mem>>) src(%dma_wait3A_84 : memref<4608xi32, #tpu.memory_space<hbm>>) dst(%arg8 : memref<4608xi32, #tpu.memory_space<vmem>>)
      tpu.yield
    }) : () -> ()
    "tpu.region"() ({
      %run_scoped3A = tpu.sem_alloc : memref<!tpu.dma_semaphore, #tpu.memory_space<semaphore_mem>>
      %dma_start3A_82 = tpu.memref_slice %arg5[%mul3A_2] : memref<147456xi32, #tpu.memory_space<hbm>> -> memref<4608xi32, #tpu.memory_space<hbm>>
      %dma_start3A_83 = tpu.memref_slice %arg5[%mul3A_2] : memref<147456xi32, #tpu.memory_space<hbm>> -> memref<4608xi32, #tpu.memory_space<hbm>>
      tpu.enqueue_dma source(%dma_start3A_83 : memref<4608xi32, #tpu.memory_space<hbm>>) target(%arg9 : memref<4608xi32, #tpu.memory_space<vmem>>) target_semaphore(%run_scoped3A : memref<!tpu.dma_semaphore, #tpu.memory_space<semaphore_mem>>)
      %dma_wait3A = tpu.memref_slice %arg5[%mul3A_2] : memref<147456xi32, #tpu.memory_space<hbm>> -> memref<4608xi32, #tpu.memory_space<hbm>>
      %dma_wait3A_84 = tpu.memref_slice %arg5[%mul3A_2] : memref<147456xi32, #tpu.memory_space<hbm>> -> memref<4608xi32, #tpu.memory_space<hbm>>
      tpu.wait_dma2 semaphore(%run_scoped3A : memref<!tpu.dma_semaphore, #tpu.memory_space<semaphore_mem>>) src(%dma_wait3A_84 : memref<4608xi32, #tpu.memory_space<hbm>>) dst(%arg9 : memref<4608xi32, #tpu.memory_space<vmem>>)
      tpu.yield
    }) : () -> ()
    %broadcast_in_dim3A = arith.constant 0.000000e+00 : f32
    %broadcast_in_dim3A_3 = vector.broadcast %broadcast_in_dim3A : f32 to vector<16xf32>
    %swap3A = arith.constant 0 : index
    %swap3A_4 = tpu.vector_load %arg13[%swap3A] {strides = array<i32>} : memref<128xf32, #tpu.memory_space<vmem>>, vector<16xf32>,
    %swap3A_5 = vector.shape_cast %swap3A_4 : vector<16xf32> to vector<16xf32>
    %swap3A_6 = vector.shape_cast %broadcast_in_dim3A_3 : vector<16xf32> to vector<16xf32>
    tpu.vector_store %arg13[%swap3A], %swap3A_6 {strides = array<i32>} : memref<128xf32, #tpu.memory_space<vmem>>, vector<16xf32>,
    %swap3A_7 = arith.constant 16 : index
    %swap3A_8 = tpu.vector_load %arg13[%swap3A_7] {strides = array<i32>} : memref<128xf32, #tpu.memory_space<vmem>>, vector<16xf32>,
    %swap3A_9 = vector.shape_cast %swap3A_8 : vector<16xf32> to vector<16xf32>
    %swap3A_10 = vector.shape_cast %broadcast_in_dim3A_3 : vector<16xf32> to vector<16xf32>
    tpu.vector_store %arg13[%swap3A_7], %swap3A_10 {strides = array<i32>} : memref<128xf32, #tpu.memory_space<vmem>>, vector<16xf32>,
    %swap3A_11 = arith.constant 32 : index
    %swap3A_12 = tpu.vector_load %arg13[%swap3A_11] {strides = array<i32>} : memref<128xf32, #tpu.memory_space<vmem>>, vector<16xf32>,
    %swap3A_13 = vector.shape_cast %swap3A_12 : vector<16xf32> to vector<16xf32>
    %swap3A_14 = vector.shape_cast %broadcast_in_dim3A_3 : vector<16xf32> to vector<16xf32>
    tpu.vector_store %arg13[%swap3A_11], %swap3A_14 {strides = array<i32>} : memref<128xf32, #tpu.memory_space<vmem>>, vector<16xf32>,
    %swap3A_15 = arith.constant 48 : index
    %swap3A_16 = tpu.vector_load %arg13[%swap3A_15] {strides = array<i32>} : memref<128xf32, #tpu.memory_space<vmem>>, vector<16xf32>,
    %swap3A_17 = vector.shape_cast %swap3A_16 : vector<16xf32> to vector<16xf32>
    %swap3A_18 = vector.shape_cast %broadcast_in_dim3A_3 : vector<16xf32> to vector<16xf32>
    tpu.vector_store %arg13[%swap3A_15], %swap3A_18 {strides = array<i32>} : memref<128xf32, #tpu.memory_space<vmem>>, vector<16xf32>,
    %swap3A_19 = arith.constant 64 : index
    %swap3A_20 = tpu.vector_load %arg13[%swap3A_19] {strides = array<i32>} : memref<128xf32, #tpu.memory_space<vmem>>, vector<16xf32>,
    %swap3A_21 = vector.shape_cast %swap3A_20 : vector<16xf32> to vector<16xf32>
    %swap3A_22 = vector.shape_cast %broadcast_in_dim3A_3 : vector<16xf32> to vector<16xf32>
    tpu.vector_store %arg13[%swap3A_19], %swap3A_22 {strides = array<i32>} : memref<128xf32, #tpu.memory_space<vmem>>, vector<16xf32>,
    %swap3A_23 = arith.constant 80 : index
    %swap3A_24 = tpu.vector_load %arg13[%swap3A_23] {strides = array<i32>} : memref<128xf32, #tpu.memory_space<vmem>>, vector<16xf32>,
    %swap3A_25 = vector.shape_cast %swap3A_24 : vector<16xf32> to vector<16xf32>
    %swap3A_26 = vector.shape_cast %broadcast_in_dim3A_3 : vector<16xf32> to vector<16xf32>
    tpu.vector_store %arg13[%swap3A_23], %swap3A_26 {strides = array<i32>} : memref<128xf32, #tpu.memory_space<vmem>>, vector<16xf32>,
    %swap3A_27 = arith.constant 96 : index
    %swap3A_28 = tpu.vector_load %arg13[%swap3A_27] {strides = array<i32>} : memref<128xf32, #tpu.memory_space<vmem>>, vector<16xf32>,
    %swap3A_29 = vector.shape_cast %swap3A_28 : vector<16xf32> to vector<16xf32>
    %swap3A_30 = vector.shape_cast %broadcast_in_dim3A_3 : vector<16xf32> to vector<16xf32>
    tpu.vector_store %arg13[%swap3A_27], %swap3A_30 {strides = array<i32>} : memref<128xf32, #tpu.memory_space<vmem>>, vector<16xf32>,
    %swap3A_31 = arith.constant 112 : index
    %swap3A_32 = tpu.vector_load %arg13[%swap3A_31] {strides = array<i32>} : memref<128xf32, #tpu.memory_space<vmem>>, vector<16xf32>,
    %swap3A_33 = vector.shape_cast %swap3A_32 : vector<16xf32> to vector<16xf32>
    %swap3A_34 = vector.shape_cast %broadcast_in_dim3A_3 : vector<16xf32> to vector<16xf32>
    tpu.vector_store %arg13[%swap3A_31], %swap3A_34 {strides = array<i32>} : memref<128xf32, #tpu.memory_space<vmem>>, vector<16xf32>,
    %get3A = arith.constant 0 : index
    %get3A_35 = tpu.vector_load %arg12[%get3A] {strides = array<i32>} : memref<128xf32, #tpu.memory_space<vmem>>, vector<16xf32>,
    %get3A_36 = vector.shape_cast %get3A_35 : vector<16xf32> to vector<16xf32>
    %get3A_37 = arith.constant 16 : index
    %get3A_38 = tpu.vector_load %arg12[%get3A_37] {strides = array<i32>} : memref<128xf32, #tpu.memory_space<vmem>>, vector<16xf32>,
    %get3A_39 = vector.shape_cast %get3A_38 : vector<16xf32> to vector<16xf32>
    %get3A_40 = arith.constant 32 : index
    %get3A_41 = tpu.vector_load %arg12[%get3A_40] {strides = array<i32>} : memref<128xf32, #tpu.memory_space<vmem>>, vector<16xf32>,
    %get3A_42 = vector.shape_cast %get3A_41 : vector<16xf32> to vector<16xf32>
    %get3A_43 = arith.constant 48 : index
    %get3A_44 = tpu.vector_load %arg12[%get3A_43] {strides = array<i32>} : memref<128xf32, #tpu.memory_space<vmem>>, vector<16xf32>,
    %get3A_45 = vector.shape_cast %get3A_44 : vector<16xf32> to vector<16xf32>
    %get3A_46 = arith.constant 64 : index
    %get3A_47 = tpu.vector_load %arg12[%get3A_46] {strides = array<i32>} : memref<128xf32, #tpu.memory_space<vmem>>, vector<16xf32>,
    %get3A_48 = vector.shape_cast %get3A_47 : vector<16xf32> to vector<16xf32>
    %get3A_49 = arith.constant 80 : index
    %get3A_50 = tpu.vector_load %arg12[%get3A_49] {strides = array<i32>} : memref<128xf32, #tpu.memory_space<vmem>>, vector<16xf32>,
    %get3A_51 = vector.shape_cast %get3A_50 : vector<16xf32> to vector<16xf32>
    %get3A_52 = arith.constant 96 : index
    %get3A_53 = tpu.vector_load %arg12[%get3A_52] {strides = array<i32>} : memref<128xf32, #tpu.memory_space<vmem>>, vector<16xf32>,
    %get3A_54 = vector.shape_cast %get3A_53 : vector<16xf32> to vector<16xf32>
    %get3A_55 = arith.constant 112 : index
    %get3A_56 = tpu.vector_load %arg12[%get3A_55] {strides = array<i32>} : memref<128xf32, #tpu.memory_space<vmem>>, vector<16xf32>,
    %get3A_57 = vector.shape_cast %get3A_56 : vector<16xf32> to vector<16xf32>
    %dma_start3A = arith.constant 0 : i32
    %dma_start3A_58 = arith.constant 0 : i32
    %dma_start3A_59 = arith.constant 0 : i32
    %dma_start3A_60 = tpu.memref_slice %arg10[%dma_start3A, %dma_start3A_58, %dma_start3A_59] : memref<2x128x128xf32, #tpu.memory_space<vmem>> -> memref<1x128x128xf32, #tpu.memory_space<vmem>>
    %dma_start3A_61 = tpu.memref_squeeze %dma_start3A_60 : memref<1x128x128xf32, #tpu.memory_space<vmem>> -> memref<128x128xf32, #tpu.memory_space<vmem>>
    %dma_start3A_62 = arith.constant 0 : i32
    %dma_start3A_63 = tpu.memref_slice %arg8[%dma_start3A_62] : memref<4608xi32, #tpu.memory_space<vmem>> -> memref<128xi32, #tpu.memory_space<vmem>>
    %dma_start3A_64 = arith.constant 0 : i32
    %dma_start3A_65 = arith.constant 0 : i32
    %dma_start3A_66 = tpu.memref_slice %arg2[%dma_start3A_64, %dma_start3A_65] : memref<2304x128xf32, #tpu.memory_space<hbm>> -> memref<2304x128xf32, #tpu.memory_space<hbm>>
    tpu.enqueue_indirect_dma source(%dma_start3A_66 : memref<2304x128xf32, #tpu.memory_space<hbm>>) target(%dma_start3A_61 : memref<128x128xf32, #tpu.memory_space<vmem>>) offsets(%dma_start3A_63 : memref<128xi32, #tpu.memory_space<vmem>>) semaphore(%arg14 : memref<!tpu.dma_semaphore, #tpu.memory_space<semaphore_mem>>)
    %dma_start3A_67 = arith.constant 0 : i32
    %dma_start3A_68 = arith.constant 0 : i32
    %dma_start3A_69 = arith.constant 0 : i32
    %dma_start3A_70 = tpu.memref_slice %arg11[%dma_start3A_67, %dma_start3A_68, %dma_start3A_69] : memref<2x128x128xf32, #tpu.memory_space<vmem>> -> memref<1x128x128xf32, #tpu.memory_space<vmem>>
    %dma_start3A_71 = tpu.memref_squeeze %dma_start3A_70 : memref<1x128x128xf32, #tpu.memory_space<vmem>> -> memref<128x128xf32, #tpu.memory_space<vmem>>
    %dma_start3A_72 = arith.constant 0 : i32
    %dma_start3A_73 = tpu.memref_slice %arg9[%dma_start3A_72] : memref<4608xi32, #tpu.memory_space<vmem>> -> memref<128xi32, #tpu.memory_space<vmem>>
    %dma_start3A_74 = arith.constant 0 : i32
    %dma_start3A_75 = arith.constant 0 : i32
    %dma_start3A_76 = tpu.memref_slice %arg3[%dma_start3A_74, %dma_start3A_75] : memref<2304x128xf32, #tpu.memory_space<hbm>> -> memref<2304x128xf32, #tpu.memory_space<hbm>>
    tpu.enqueue_indirect_dma source(%dma_start3A_76 : memref<2304x128xf32, #tpu.memory_space<hbm>>) target(%dma_start3A_71 : memref<128x128xf32, #tpu.memory_space<vmem>>) offsets(%dma_start3A_73 : memref<128xi32, #tpu.memory_space<vmem>>) semaphore(%arg14 : memref<!tpu.dma_semaphore, #tpu.memory_space<semaphore_mem>>)
    %scan3A = arith.constant 0 : i32
    %scan3A_77 = arith.constant 0 : i32
    %scan3A_78 = arith.constant 18 : i32
    %scan3A_79 = arith.addi %scan3A_77, %scan3A_78 : i32
    %scan3A_80 = arith.constant 1 : i32
    scf.for %scan3A_82 = %scan3A_77 to %scan3A_79 step %scan3A_80  : i32 {
      %mul3A_83 = arith.constant 2 : i32
      %mul3A_84 = arith.muli %scan3A_82, %mul3A_83 : i32
      %add3A_85 = arith.constant 0 : i32
      %add3A_86 = arith.addi %mul3A_84, %add3A_85 : i32
      %add3A_87 = arith.constant 1 : i32
      %add3A_88 = arith.addi %add3A_86, %add3A_87 : i32
      %lt3A = arith.constant 36 : i32
      %lt3A_89 = arith.cmpi slt, %add3A_88, %lt3A : i32
      %convert_element_type3A = arith.extui %lt3A_89 : i1 to i32
      %cond3A = arith.constant 0 : i32
      %cond3A_90 = arith.cmpi ne, %convert_element_type3A, %cond3A : i32
      scf.if %cond3A_90 {
        %add3A_285 = arith.constant 1 : i32
        %add3A_286 = arith.addi %add3A_86, %add3A_285 : i32
        %mul3A_287 = arith.constant 128 : i32
        %mul3A_288 = arith.muli %add3A_286, %mul3A_287 : i32
        %mul3A_289 = arith.constant 128 : i32
        %mul3A_290 = arith.muli %add3A_286, %mul3A_289 : i32
        %dma_start3A_291 = arith.constant 1 : i32
        %dma_start3A_292 = arith.constant 0 : i32
        %dma_start3A_293 = arith.constant 0 : i32
        %dma_start3A_294 = tpu.memref_slice %arg10[%dma_start3A_291, %dma_start3A_292, %dma_start3A_293] : memref<2x128x128xf32, #tpu.memory_space<vmem>> -> memref<1x128x128xf32, #tpu.memory_space<vmem>>
        %dma_start3A_295 = tpu.memref_squeeze %dma_start3A_294 : memref<1x128x128xf32, #tpu.memory_space<vmem>> -> memref<128x128xf32, #tpu.memory_space<vmem>>
        %dma_start3A_296 = tpu.memref_slice %arg8[%mul3A_288] : memref<4608xi32, #tpu.memory_space<vmem>> -> memref<128xi32, #tpu.memory_space<vmem>>
        %dma_start3A_297 = arith.constant 0 : i32
        %dma_start3A_298 = arith.constant 0 : i32
        %dma_start3A_299 = tpu.memref_slice %arg2[%dma_start3A_297, %dma_start3A_298] : memref<2304x128xf32, #tpu.memory_space<hbm>> -> memref<2304x128xf32, #tpu.memory_space<hbm>>
        tpu.enqueue_indirect_dma source(%dma_start3A_299 : memref<2304x128xf32, #tpu.memory_space<hbm>>) target(%dma_start3A_295 : memref<128x128xf32, #tpu.memory_space<vmem>>) offsets(%dma_start3A_296 : memref<128xi32, #tpu.memory_space<vmem>>) semaphore(%arg14 : memref<!tpu.dma_semaphore, #tpu.memory_space<semaphore_mem>>)
        %dma_start3A_300 = arith.constant 1 : i32
        %dma_start3A_301 = arith.constant 0 : i32
        %dma_start3A_302 = arith.constant 0 : i32
        %dma_start3A_303 = tpu.memref_slice %arg11[%dma_start3A_300, %dma_start3A_301, %dma_start3A_302] : memref<2x128x128xf32, #tpu.memory_space<vmem>> -> memref<1x128x128xf32, #tpu.memory_space<vmem>>
        %dma_start3A_304 = tpu.memref_squeeze %dma_start3A_303 : memref<1x128x128xf32, #tpu.memory_space<vmem>> -> memref<128x128xf32, #tpu.memory_space<vmem>>
        %dma_start3A_305 = tpu.memref_slice %arg9[%mul3A_290] : memref<4608xi32, #tpu.memory_space<vmem>> -> memref<128xi32, #tpu.memory_space<vmem>>
        %dma_start3A_306 = arith.constant 0 : i32
        %dma_start3A_307 = arith.constant 0 : i32
        %dma_start3A_308 = tpu.memref_slice %arg3[%dma_start3A_306, %dma_start3A_307] : memref<2304x128xf32, #tpu.memory_space<hbm>> -> memref<2304x128xf32, #tpu.memory_space<hbm>>
        tpu.enqueue_indirect_dma source(%dma_start3A_308 : memref<2304x128xf32, #tpu.memory_space<hbm>>) target(%dma_start3A_304 : memref<128x128xf32, #tpu.memory_space<vmem>>) offsets(%dma_start3A_305 : memref<128xi32, #tpu.memory_space<vmem>>) semaphore(%arg14 : memref<!tpu.dma_semaphore, #tpu.memory_space<semaphore_mem>>)
      } else {
      }
      %mul3A_91 = arith.constant 128 : i32
      %mul3A_92 = arith.muli %add3A_86, %mul3A_91 : i32
      %mul3A_93 = arith.constant 128 : i32
      %mul3A_94 = arith.muli %add3A_86, %mul3A_93 : i32
      %dma_wait3A = arith.constant 0 : i32
      %dma_wait3A_95 = arith.constant 0 : i32
      %dma_wait3A_96 = arith.constant 0 : i32
      %dma_wait3A_97 = tpu.memref_slice %arg10[%dma_wait3A, %dma_wait3A_95, %dma_wait3A_96] : memref<2x128x128xf32, #tpu.memory_space<vmem>> -> memref<1x128x128xf32, #tpu.memory_space<vmem>>
      %dma_wait3A_98 = tpu.memref_squeeze %dma_wait3A_97 : memref<1x128x128xf32, #tpu.memory_space<vmem>> -> memref<128x128xf32, #tpu.memory_space<vmem>>
      %dma_wait3A_99 = tpu.memref_slice %arg8[%mul3A_92] : memref<4608xi32, #tpu.memory_space<vmem>> -> memref<128xi32, #tpu.memory_space<vmem>>
      %dma_wait3A_100 = arith.constant 0 : i32
      %dma_wait3A_101 = arith.constant 0 : i32
      %dma_wait3A_102 = tpu.memref_slice %arg2[%dma_wait3A_100, %dma_wait3A_101] : memref<2304x128xf32, #tpu.memory_space<hbm>> -> memref<2304x128xf32, #tpu.memory_space<hbm>>
      tpu.wait_indirect_dma semaphore(%arg14 : memref<!tpu.dma_semaphore, #tpu.memory_space<semaphore_mem>>) src(%dma_wait3A_102 : memref<2304x128xf32, #tpu.memory_space<hbm>>) dst(%dma_wait3A_98 : memref<128x128xf32, #tpu.memory_space<vmem>>)
      %dma_wait3A_103 = arith.constant 0 : i32
      %dma_wait3A_104 = arith.constant 0 : i32
      %dma_wait3A_105 = arith.constant 0 : i32
      %dma_wait3A_106 = tpu.memref_slice %arg11[%dma_wait3A_103, %dma_wait3A_104, %dma_wait3A_105] : memref<2x128x128xf32, #tpu.memory_space<vmem>> -> memref<1x128x128xf32, #tpu.memory_space<vmem>>
      %dma_wait3A_107 = tpu.memref_squeeze %dma_wait3A_106 : memref<1x128x128xf32, #tpu.memory_space<vmem>> -> memref<128x128xf32, #tpu.memory_space<vmem>>
      %dma_wait3A_108 = tpu.memref_slice %arg9[%mul3A_94] : memref<4608xi32, #tpu.memory_space<vmem>> -> memref<128xi32, #tpu.memory_space<vmem>>
      %dma_wait3A_109 = arith.constant 0 : i32
      %dma_wait3A_110 = arith.constant 0 : i32
      %dma_wait3A_111 = tpu.memref_slice %arg3[%dma_wait3A_109, %dma_wait3A_110] : memref<2304x128xf32, #tpu.memory_space<hbm>> -> memref<2304x128xf32, #tpu.memory_space<hbm>>
      tpu.wait_indirect_dma semaphore(%arg14 : memref<!tpu.dma_semaphore, #tpu.memory_space<semaphore_mem>>) src(%dma_wait3A_111 : memref<2304x128xf32, #tpu.memory_space<hbm>>) dst(%dma_wait3A_107 : memref<128x128xf32, #tpu.memory_space<vmem>>)
      %scan3A_112 = arith.constant 0 : i32
      %scan3A_113 = arith.constant 128 : i32
      %scan3A_114 = arith.addi %scan3A_112, %scan3A_113 : i32
      %scan3A_115 = arith.constant 1 : i32
      %scan3A_116:8 = scf.for %scan3A_285 = %scan3A_112 to %scan3A_114 step %scan3A_115 iter_args(%scan3A_286 = %broadcast_in_dim3A_3, %scan3A_287 = %broadcast_in_dim3A_3, %scan3A_288 = %broadcast_in_dim3A_3, %scan3A_289 = %broadcast_in_dim3A_3, %scan3A_290 = %broadcast_in_dim3A_3, %scan3A_291 = %broadcast_in_dim3A_3, %scan3A_292 = %broadcast_in_dim3A_3, %scan3A_293 = %broadcast_in_dim3A_3) -> (vector<16xf32>, vector<16xf32>, vector<16xf32>, vector<16xf32>, vector<16xf32>, vector<16xf32>, vector<16xf32>, vector<16xf32>)  : i32 {
        %get3A_294 = arith.constant 0 : i32
        %get3A_295 = arith.index_cast %get3A_294 : i32 to index
        %get3A_296 = arith.index_cast %scan3A_285 : i32 to index
        %get3A_297 = arith.constant 0 : index
        %get3A_298 = tpu.vector_load %arg10[%get3A_295, %get3A_296, %get3A_297] {strides = array<i32>} : memref<2x128x128xf32, #tpu.memory_space<vmem>>, vector<1x1x16xf32>,
        %get3A_299 = vector.shape_cast %get3A_298 : vector<1x1x16xf32> to vector<16xf32>
        %get3A_300 = arith.constant 0 : i32
        %get3A_301 = arith.index_cast %get3A_300 : i32 to index
        %get3A_302 = arith.index_cast %scan3A_285 : i32 to index
        %get3A_303 = arith.constant 0 : index
        %get3A_304 = tpu.vector_load %arg11[%get3A_301, %get3A_302, %get3A_303] {strides = array<i32>} : memref<2x128x128xf32, #tpu.memory_space<vmem>>, vector<1x1x16xf32>,
        %get3A_305 = vector.shape_cast %get3A_304 : vector<1x1x16xf32> to vector<16xf32>
        %sub3A = arith.subf %get3A_299, %get3A_305 : vector<16xf32>
        %add3A_306 = arith.addf %sub3A, %get3A_36 : vector<16xf32>
        %gt3A = arith.constant 0.000000e+00 : f32
        %gt3A_307 = vector.broadcast %gt3A : f32 to vector<16xf32>
        %gt3A_308 = arith.cmpf ogt, %add3A_306, %gt3A_307 : vector<16xf32>
        %mul3A_309 = arith.constant 0.00999999977 : f32
        %mul3A_310 = vector.broadcast %mul3A_309 : f32 to vector<16xf32>
        %mul3A_311 = arith.mulf %mul3A_310, %add3A_306 : vector<16xf32>
        %select_n3A = arith.select %gt3A_308, %add3A_306, %mul3A_311 : vector<16xi1>, vector<16xf32>
        %add3A_312 = arith.addf %scan3A_286, %select_n3A : vector<16xf32>
        %get3A_313 = arith.constant 0 : i32
        %get3A_314 = arith.index_cast %get3A_313 : i32 to index
        %get3A_315 = arith.index_cast %scan3A_285 : i32 to index
        %get3A_316 = arith.constant 16 : index
        %get3A_317 = tpu.vector_load %arg10[%get3A_314, %get3A_315, %get3A_316] {strides = array<i32>} : memref<2x128x128xf32, #tpu.memory_space<vmem>>, vector<1x1x16xf32>,
        %get3A_318 = vector.shape_cast %get3A_317 : vector<1x1x16xf32> to vector<16xf32>
        %get3A_319 = arith.constant 0 : i32
        %get3A_320 = arith.index_cast %get3A_319 : i32 to index
        %get3A_321 = arith.index_cast %scan3A_285 : i32 to index
        %get3A_322 = arith.constant 16 : index
        %get3A_323 = tpu.vector_load %arg11[%get3A_320, %get3A_321, %get3A_322] {strides = array<i32>} : memref<2x128x128xf32, #tpu.memory_space<vmem>>, vector<1x1x16xf32>,
        %get3A_324 = vector.shape_cast %get3A_323 : vector<1x1x16xf32> to vector<16xf32>
        %sub3A_325 = arith.subf %get3A_318, %get3A_324 : vector<16xf32>
        %add3A_326 = arith.addf %sub3A_325, %get3A_39 : vector<16xf32>
        %gt3A_327 = arith.constant 0.000000e+00 : f32
        %gt3A_328 = vector.broadcast %gt3A_327 : f32 to vector<16xf32>
        %gt3A_329 = arith.cmpf ogt, %add3A_326, %gt3A_328 : vector<16xf32>
        %mul3A_330 = arith.constant 0.00999999977 : f32
        %mul3A_331 = vector.broadcast %mul3A_330 : f32 to vector<16xf32>
        %mul3A_332 = arith.mulf %mul3A_331, %add3A_326 : vector<16xf32>
        %select_n3A_333 = arith.select %gt3A_329, %add3A_326, %mul3A_332 : vector<16xi1>, vector<16xf32>
        %add3A_334 = arith.addf %scan3A_287, %select_n3A_333 : vector<16xf32>
        %get3A_335 = arith.constant 0 : i32
        %get3A_336 = arith.index_cast %get3A_335 : i32 to index
        %get3A_337 = arith.index_cast %scan3A_285 : i32 to index
        %get3A_338 = arith.constant 32 : index
        %get3A_339 = tpu.vector_load %arg10[%get3A_336, %get3A_337, %get3A_338] {strides = array<i32>} : memref<2x128x128xf32, #tpu.memory_space<vmem>>, vector<1x1x16xf32>,
        %get3A_340 = vector.shape_cast %get3A_339 : vector<1x1x16xf32> to vector<16xf32>
        %get3A_341 = arith.constant 0 : i32
        %get3A_342 = arith.index_cast %get3A_341 : i32 to index
        %get3A_343 = arith.index_cast %scan3A_285 : i32 to index
        %get3A_344 = arith.constant 32 : index
        %get3A_345 = tpu.vector_load %arg11[%get3A_342, %get3A_343, %get3A_344] {strides = array<i32>} : memref<2x128x128xf32, #tpu.memory_space<vmem>>, vector<1x1x16xf32>,
        %get3A_346 = vector.shape_cast %get3A_345 : vector<1x1x16xf32> to vector<16xf32>
        %sub3A_347 = arith.subf %get3A_340, %get3A_346 : vector<16xf32>
        %add3A_348 = arith.addf %sub3A_347, %get3A_42 : vector<16xf32>
        %gt3A_349 = arith.constant 0.000000e+00 : f32
        %gt3A_350 = vector.broadcast %gt3A_349 : f32 to vector<16xf32>
        %gt3A_351 = arith.cmpf ogt, %add3A_348, %gt3A_350 : vector<16xf32>
        %mul3A_352 = arith.constant 0.00999999977 : f32
        %mul3A_353 = vector.broadcast %mul3A_352 : f32 to vector<16xf32>
        %mul3A_354 = arith.mulf %mul3A_353, %add3A_348 : vector<16xf32>
        %select_n3A_355 = arith.select %gt3A_351, %add3A_348, %mul3A_354 : vector<16xi1>, vector<16xf32>
        %add3A_356 = arith.addf %scan3A_288, %select_n3A_355 : vector<16xf32>
        %get3A_357 = arith.constant 0 : i32
        %get3A_358 = arith.index_cast %get3A_357 : i32 to index
        %get3A_359 = arith.index_cast %scan3A_285 : i32 to index
        %get3A_360 = arith.constant 48 : index
        %get3A_361 = tpu.vector_load %arg10[%get3A_358, %get3A_359, %get3A_360] {strides = array<i32>} : memref<2x128x128xf32, #tpu.memory_space<vmem>>, vector<1x1x16xf32>,
        %get3A_362 = vector.shape_cast %get3A_361 : vector<1x1x16xf32> to vector<16xf32>
        %get3A_363 = arith.constant 0 : i32
        %get3A_364 = arith.index_cast %get3A_363 : i32 to index
        %get3A_365 = arith.index_cast %scan3A_285 : i32 to index
        %get3A_366 = arith.constant 48 : index
        %get3A_367 = tpu.vector_load %arg11[%get3A_364, %get3A_365, %get3A_366] {strides = array<i32>} : memref<2x128x128xf32, #tpu.memory_space<vmem>>, vector<1x1x16xf32>,
        %get3A_368 = vector.shape_cast %get3A_367 : vector<1x1x16xf32> to vector<16xf32>
        %sub3A_369 = arith.subf %get3A_362, %get3A_368 : vector<16xf32>
        %add3A_370 = arith.addf %sub3A_369, %get3A_45 : vector<16xf32>
        %gt3A_371 = arith.constant 0.000000e+00 : f32
        %gt3A_372 = vector.broadcast %gt3A_371 : f32 to vector<16xf32>
        %gt3A_373 = arith.cmpf ogt, %add3A_370, %gt3A_372 : vector<16xf32>
        %mul3A_374 = arith.constant 0.00999999977 : f32
        %mul3A_375 = vector.broadcast %mul3A_374 : f32 to vector<16xf32>
        %mul3A_376 = arith.mulf %mul3A_375, %add3A_370 : vector<16xf32>
        %select_n3A_377 = arith.select %gt3A_373, %add3A_370, %mul3A_376 : vector<16xi1>, vector<16xf32>
        %add3A_378 = arith.addf %scan3A_289, %select_n3A_377 : vector<16xf32>
        %get3A_379 = arith.constant 0 : i32
        %get3A_380 = arith.index_cast %get3A_379 : i32 to index
        %get3A_381 = arith.index_cast %scan3A_285 : i32 to index
        %get3A_382 = arith.constant 64 : index
        %get3A_383 = tpu.vector_load %arg10[%get3A_380, %get3A_381, %get3A_382] {strides = array<i32>} : memref<2x128x128xf32, #tpu.memory_space<vmem>>, vector<1x1x16xf32>,
        %get3A_384 = vector.shape_cast %get3A_383 : vector<1x1x16xf32> to vector<16xf32>
        %get3A_385 = arith.constant 0 : i32
        %get3A_386 = arith.index_cast %get3A_385 : i32 to index
        %get3A_387 = arith.index_cast %scan3A_285 : i32 to index
        %get3A_388 = arith.constant 64 : index
        %get3A_389 = tpu.vector_load %arg11[%get3A_386, %get3A_387, %get3A_388] {strides = array<i32>} : memref<2x128x128xf32, #tpu.memory_space<vmem>>, vector<1x1x16xf32>,
        %get3A_390 = vector.shape_cast %get3A_389 : vector<1x1x16xf32> to vector<16xf32>
        %sub3A_391 = arith.subf %get3A_390, %get3A_384 : vector<16xf32>
        %add3A_392 = arith.addf %sub3A_391, %get3A_48 : vector<16xf32>
        %gt3A_393 = arith.constant 0.000000e+00 : f32
        %gt3A_394 = vector.broadcast %gt3A_393 : f32 to vector<16xf32>
        %gt3A_395 = arith.cmpf ogt, %add3A_392, %gt3A_394 : vector<16xf32>
        %mul3A_396 = arith.constant 0.00999999977 : f32
        %mul3A_397 = vector.broadcast %mul3A_396 : f32 to vector<16xf32>
        %mul3A_398 = arith.mulf %mul3A_397, %add3A_392 : vector<16xf32>
        %select_n3A_399 = arith.select %gt3A_395, %add3A_392, %mul3A_398 : vector<16xi1>, vector<16xf32>
        %add3A_400 = arith.addf %scan3A_290, %select_n3A_399 : vector<16xf32>
        %get3A_401 = arith.constant 0 : i32
        %get3A_402 = arith.index_cast %get3A_401 : i32 to index
        %get3A_403 = arith.index_cast %scan3A_285 : i32 to index
        %get3A_404 = arith.constant 80 : index
        %get3A_405 = tpu.vector_load %arg10[%get3A_402, %get3A_403, %get3A_404] {strides = array<i32>} : memref<2x128x128xf32, #tpu.memory_space<vmem>>, vector<1x1x16xf32>,
        %get3A_406 = vector.shape_cast %get3A_405 : vector<1x1x16xf32> to vector<16xf32>
        %get3A_407 = arith.constant 0 : i32
        %get3A_408 = arith.index_cast %get3A_407 : i32 to index
        %get3A_409 = arith.index_cast %scan3A_285 : i32 to index
        %get3A_410 = arith.constant 80 : index
        %get3A_411 = tpu.vector_load %arg11[%get3A_408, %get3A_409, %get3A_410] {strides = array<i32>} : memref<2x128x128xf32, #tpu.memory_space<vmem>>, vector<1x1x16xf32>,
        %get3A_412 = vector.shape_cast %get3A_411 : vector<1x1x16xf32> to vector<16xf32>
        %sub3A_413 = arith.subf %get3A_412, %get3A_406 : vector<16xf32>
        %add3A_414 = arith.addf %sub3A_413, %get3A_51 : vector<16xf32>
        %gt3A_415 = arith.constant 0.000000e+00 : f32
        %gt3A_416 = vector.broadcast %gt3A_415 : f32 to vector<16xf32>
        %gt3A_417 = arith.cmpf ogt, %add3A_414, %gt3A_416 : vector<16xf32>
        %mul3A_418 = arith.constant 0.00999999977 : f32
        %mul3A_419 = vector.broadcast %mul3A_418 : f32 to vector<16xf32>
        %mul3A_420 = arith.mulf %mul3A_419, %add3A_414 : vector<16xf32>
        %select_n3A_421 = arith.select %gt3A_417, %add3A_414, %mul3A_420 : vector<16xi1>, vector<16xf32>
        %add3A_422 = arith.addf %scan3A_291, %select_n3A_421 : vector<16xf32>
        %get3A_423 = arith.constant 0 : i32
        %get3A_424 = arith.index_cast %get3A_423 : i32 to index
        %get3A_425 = arith.index_cast %scan3A_285 : i32 to index
        %get3A_426 = arith.constant 96 : index
        %get3A_427 = tpu.vector_load %arg10[%get3A_424, %get3A_425, %get3A_426] {strides = array<i32>} : memref<2x128x128xf32, #tpu.memory_space<vmem>>, vector<1x1x16xf32>,
        %get3A_428 = vector.shape_cast %get3A_427 : vector<1x1x16xf32> to vector<16xf32>
        %get3A_429 = arith.constant 0 : i32
        %get3A_430 = arith.index_cast %get3A_429 : i32 to index
        %get3A_431 = arith.index_cast %scan3A_285 : i32 to index
        %get3A_432 = arith.constant 96 : index
        %get3A_433 = tpu.vector_load %arg11[%get3A_430, %get3A_431, %get3A_432] {strides = array<i32>} : memref<2x128x128xf32, #tpu.memory_space<vmem>>, vector<1x1x16xf32>,
        %get3A_434 = vector.shape_cast %get3A_433 : vector<1x1x16xf32> to vector<16xf32>
        %sub3A_435 = arith.subf %get3A_434, %get3A_428 : vector<16xf32>
        %add3A_436 = arith.addf %sub3A_435, %get3A_54 : vector<16xf32>
        %gt3A_437 = arith.constant 0.000000e+00 : f32
        %gt3A_438 = vector.broadcast %gt3A_437 : f32 to vector<16xf32>
        %gt3A_439 = arith.cmpf ogt, %add3A_436, %gt3A_438 : vector<16xf32>
        %mul3A_440 = arith.constant 0.00999999977 : f32
        %mul3A_441 = vector.broadcast %mul3A_440 : f32 to vector<16xf32>
        %mul3A_442 = arith.mulf %mul3A_441, %add3A_436 : vector<16xf32>
        %select_n3A_443 = arith.select %gt3A_439, %add3A_436, %mul3A_442 : vector<16xi1>, vector<16xf32>
        %add3A_444 = arith.addf %scan3A_292, %select_n3A_443 : vector<16xf32>
        %get3A_445 = arith.constant 0 : i32
        %get3A_446 = arith.index_cast %get3A_445 : i32 to index
        %get3A_447 = arith.index_cast %scan3A_285 : i32 to index
        %get3A_448 = arith.constant 112 : index
        %get3A_449 = tpu.vector_load %arg10[%get3A_446, %get3A_447, %get3A_448] {strides = array<i32>} : memref<2x128x128xf32, #tpu.memory_space<vmem>>, vector<1x1x16xf32>,
        %get3A_450 = vector.shape_cast %get3A_449 : vector<1x1x16xf32> to vector<16xf32>
        %get3A_451 = arith.constant 0 : i32
        %get3A_452 = arith.index_cast %get3A_451 : i32 to index
        %get3A_453 = arith.index_cast %scan3A_285 : i32 to index
        %get3A_454 = arith.constant 112 : index
        %get3A_455 = tpu.vector_load %arg11[%get3A_452, %get3A_453, %get3A_454] {strides = array<i32>} : memref<2x128x128xf32, #tpu.memory_space<vmem>>, vector<1x1x16xf32>,
        %get3A_456 = vector.shape_cast %get3A_455 : vector<1x1x16xf32> to vector<16xf32>
        %sub3A_457 = arith.subf %get3A_456, %get3A_450 : vector<16xf32>
        %add3A_458 = arith.addf %sub3A_457, %get3A_57 : vector<16xf32>
        %gt3A_459 = arith.constant 0.000000e+00 : f32
        %gt3A_460 = vector.broadcast %gt3A_459 : f32 to vector<16xf32>
        %gt3A_461 = arith.cmpf ogt, %add3A_458, %gt3A_460 : vector<16xf32>
        %mul3A_462 = arith.constant 0.00999999977 : f32
        %mul3A_463 = vector.broadcast %mul3A_462 : f32 to vector<16xf32>
        %mul3A_464 = arith.mulf %mul3A_463, %add3A_458 : vector<16xf32>
        %select_n3A_465 = arith.select %gt3A_461, %add3A_458, %mul3A_464 : vector<16xi1>, vector<16xf32>
        %add3A_466 = arith.addf %scan3A_293, %select_n3A_465 : vector<16xf32>
        scf.yield %add3A_312, %add3A_334, %add3A_356, %add3A_378, %add3A_400, %add3A_422, %add3A_444, %add3A_466 : vector<16xf32>, vector<16xf32>, vector<16xf32>, vector<16xf32>, vector<16xf32>, vector<16xf32>, vector<16xf32>, vector<16xf32>
      }
      %scan3A_117 = arith.constant 128 : i32
      %get3A_118 = arith.constant 0 : index
      %get3A_119 = tpu.vector_load %arg13[%get3A_118] {strides = array<i32>} : memref<128xf32, #tpu.memory_space<vmem>>, vector<16xf32>,
      %get3A_120 = vector.shape_cast %get3A_119 : vector<16xf32> to vector<16xf32>
      %add3A_121 = arith.addf %get3A_120, %scan3A_116#0 : vector<16xf32>
      %swap3A_122 = arith.constant 0 : index
      %swap3A_123 = tpu.vector_load %arg13[%swap3A_122] {strides = array<i32>} : memref<128xf32, #tpu.memory_space<vmem>>, vector<16xf32>,
      %swap3A_124 = vector.shape_cast %swap3A_123 : vector<16xf32> to vector<16xf32>
      %swap3A_125 = vector.shape_cast %add3A_121 : vector<16xf32> to vector<16xf32>
      tpu.vector_store %arg13[%swap3A_122], %swap3A_125 {strides = array<i32>} : memref<128xf32, #tpu.memory_space<vmem>>, vector<16xf32>,
      %get3A_126 = arith.constant 16 : index
      %get3A_127 = tpu.vector_load %arg13[%get3A_126] {strides = array<i32>} : memref<128xf32, #tpu.memory_space<vmem>>, vector<16xf32>,
      %get3A_128 = vector.shape_cast %get3A_127 : vector<16xf32> to vector<16xf32>
      %add3A_129 = arith.addf %get3A_128, %scan3A_116#1 : vector<16xf32>
      %swap3A_130 = arith.constant 16 : index
      %swap3A_131 = tpu.vector_load %arg13[%swap3A_130] {strides = array<i32>} : memref<128xf32, #tpu.memory_space<vmem>>, vector<16xf32>,
      %swap3A_132 = vector.shape_cast %swap3A_131 : vector<16xf32> to vector<16xf32>
      %swap3A_133 = vector.shape_cast %add3A_129 : vector<16xf32> to vector<16xf32>
      tpu.vector_store %arg13[%swap3A_130], %swap3A_133 {strides = array<i32>} : memref<128xf32, #tpu.memory_space<vmem>>, vector<16xf32>,
      %get3A_134 = arith.constant 32 : index
      %get3A_135 = tpu.vector_load %arg13[%get3A_134] {strides = array<i32>} : memref<128xf32, #tpu.memory_space<vmem>>, vector<16xf32>,
      %get3A_136 = vector.shape_cast %get3A_135 : vector<16xf32> to vector<16xf32>
      %add3A_137 = arith.addf %get3A_136, %scan3A_116#2 : vector<16xf32>
      %swap3A_138 = arith.constant 32 : index
      %swap3A_139 = tpu.vector_load %arg13[%swap3A_138] {strides = array<i32>} : memref<128xf32, #tpu.memory_space<vmem>>, vector<16xf32>,
      %swap3A_140 = vector.shape_cast %swap3A_139 : vector<16xf32> to vector<16xf32>
      %swap3A_141 = vector.shape_cast %add3A_137 : vector<16xf32> to vector<16xf32>
      tpu.vector_store %arg13[%swap3A_138], %swap3A_141 {strides = array<i32>} : memref<128xf32, #tpu.memory_space<vmem>>, vector<16xf32>,
      %get3A_142 = arith.constant 48 : index
      %get3A_143 = tpu.vector_load %arg13[%get3A_142] {strides = array<i32>} : memref<128xf32, #tpu.memory_space<vmem>>, vector<16xf32>,
      %get3A_144 = vector.shape_cast %get3A_143 : vector<16xf32> to vector<16xf32>
      %add3A_145 = arith.addf %get3A_144, %scan3A_116#3 : vector<16xf32>
      %swap3A_146 = arith.constant 48 : index
      %swap3A_147 = tpu.vector_load %arg13[%swap3A_146] {strides = array<i32>} : memref<128xf32, #tpu.memory_space<vmem>>, vector<16xf32>,
      %swap3A_148 = vector.shape_cast %swap3A_147 : vector<16xf32> to vector<16xf32>
      %swap3A_149 = vector.shape_cast %add3A_145 : vector<16xf32> to vector<16xf32>
      tpu.vector_store %arg13[%swap3A_146], %swap3A_149 {strides = array<i32>} : memref<128xf32, #tpu.memory_space<vmem>>, vector<16xf32>,
      %get3A_150 = arith.constant 64 : index
      %get3A_151 = tpu.vector_load %arg13[%get3A_150] {strides = array<i32>} : memref<128xf32, #tpu.memory_space<vmem>>, vector<16xf32>,
      %get3A_152 = vector.shape_cast %get3A_151 : vector<16xf32> to vector<16xf32>
      %add3A_153 = arith.addf %get3A_152, %scan3A_116#4 : vector<16xf32>
      %swap3A_154 = arith.constant 64 : index
      %swap3A_155 = tpu.vector_load %arg13[%swap3A_154] {strides = array<i32>} : memref<128xf32, #tpu.memory_space<vmem>>, vector<16xf32>,
      %swap3A_156 = vector.shape_cast %swap3A_155 : vector<16xf32> to vector<16xf32>
      %swap3A_157 = vector.shape_cast %add3A_153 : vector<16xf32> to vector<16xf32>
      tpu.vector_store %arg13[%swap3A_154], %swap3A_157 {strides = array<i32>} : memref<128xf32, #tpu.memory_space<vmem>>, vector<16xf32>,
      %get3A_158 = arith.constant 80 : index
      %get3A_159 = tpu.vector_load %arg13[%get3A_158] {strides = array<i32>} : memref<128xf32, #tpu.memory_space<vmem>>, vector<16xf32>,
      %get3A_160 = vector.shape_cast %get3A_159 : vector<16xf32> to vector<16xf32>
      %add3A_161 = arith.addf %get3A_160, %scan3A_116#5 : vector<16xf32>
      %swap3A_162 = arith.constant 80 : index
      %swap3A_163 = tpu.vector_load %arg13[%swap3A_162] {strides = array<i32>} : memref<128xf32, #tpu.memory_space<vmem>>, vector<16xf32>,
      %swap3A_164 = vector.shape_cast %swap3A_163 : vector<16xf32> to vector<16xf32>
      %swap3A_165 = vector.shape_cast %add3A_161 : vector<16xf32> to vector<16xf32>
      tpu.vector_store %arg13[%swap3A_162], %swap3A_165 {strides = array<i32>} : memref<128xf32, #tpu.memory_space<vmem>>, vector<16xf32>,
      %get3A_166 = arith.constant 96 : index
      %get3A_167 = tpu.vector_load %arg13[%get3A_166] {strides = array<i32>} : memref<128xf32, #tpu.memory_space<vmem>>, vector<16xf32>,
      %get3A_168 = vector.shape_cast %get3A_167 : vector<16xf32> to vector<16xf32>
      %add3A_169 = arith.addf %get3A_168, %scan3A_116#6 : vector<16xf32>
      %swap3A_170 = arith.constant 96 : index
      %swap3A_171 = tpu.vector_load %arg13[%swap3A_170] {strides = array<i32>} : memref<128xf32, #tpu.memory_space<vmem>>, vector<16xf32>,
      %swap3A_172 = vector.shape_cast %swap3A_171 : vector<16xf32> to vector<16xf32>
      %swap3A_173 = vector.shape_cast %add3A_169 : vector<16xf32> to vector<16xf32>
      tpu.vector_store %arg13[%swap3A_170], %swap3A_173 {strides = array<i32>} : memref<128xf32, #tpu.memory_space<vmem>>, vector<16xf32>,
      %get3A_174 = arith.constant 112 : index
      %get3A_175 = tpu.vector_load %arg13[%get3A_174] {strides = array<i32>} : memref<128xf32, #tpu.memory_space<vmem>>, vector<16xf32>,
      %get3A_176 = vector.shape_cast %get3A_175 : vector<16xf32> to vector<16xf32>
      %add3A_177 = arith.addf %get3A_176, %scan3A_116#7 : vector<16xf32>
      %swap3A_178 = arith.constant 112 : index
      %swap3A_179 = tpu.vector_load %arg13[%swap3A_178] {strides = array<i32>} : memref<128xf32, #tpu.memory_space<vmem>>, vector<16xf32>,
      %swap3A_180 = vector.shape_cast %swap3A_179 : vector<16xf32> to vector<16xf32>
      %swap3A_181 = vector.shape_cast %add3A_177 : vector<16xf32> to vector<16xf32>
      tpu.vector_store %arg13[%swap3A_178], %swap3A_181 {strides = array<i32>} : memref<128xf32, #tpu.memory_space<vmem>>, vector<16xf32>,
      %mul3A_182 = arith.constant 2 : i32
      %mul3A_183 = arith.muli %scan3A_82, %mul3A_182 : i32
      %add3A_184 = arith.constant 1 : i32
      %add3A_185 = arith.addi %mul3A_183, %add3A_184 : i32
      %add3A_186 = arith.constant 1 : i32
      %add3A_187 = arith.addi %add3A_185, %add3A_186 : i32
      %lt3A_188 = arith.constant 36 : i32
      %lt3A_189 = arith.cmpi slt, %add3A_187, %lt3A_188 : i32
      %convert_element_type3A_190 = arith.extui %lt3A_189 : i1 to i32
      %cond3A_191 = arith.constant 0 : i32
      %cond3A_192 = arith.cmpi ne, %convert_element_type3A_190, %cond3A_191 : i32
      scf.if %cond3A_192 {
        %add3A_285 = arith.constant 1 : i32
        %add3A_286 = arith.addi %add3A_185, %add3A_285 : i32
        %mul3A_287 = arith.constant 128 : i32
        %mul3A_288 = arith.muli %add3A_286, %mul3A_287 : i32
        %mul3A_289 = arith.constant 128 : i32
        %mul3A_290 = arith.muli %add3A_286, %mul3A_289 : i32
        %dma_start3A_291 = arith.constant 0 : i32
        %dma_start3A_292 = arith.constant 0 : i32
        %dma_start3A_293 = arith.constant 0 : i32
        %dma_start3A_294 = tpu.memref_slice %arg10[%dma_start3A_291, %dma_start3A_292, %dma_start3A_293] : memref<2x128x128xf32, #tpu.memory_space<vmem>> -> memref<1x128x128xf32, #tpu.memory_space<vmem>>
        %dma_start3A_295 = tpu.memref_squeeze %dma_start3A_294 : memref<1x128x128xf32, #tpu.memory_space<vmem>> -> memref<128x128xf32, #tpu.memory_space<vmem>>
        %dma_start3A_296 = tpu.memref_slice %arg8[%mul3A_288] : memref<4608xi32, #tpu.memory_space<vmem>> -> memref<128xi32, #tpu.memory_space<vmem>>
        %dma_start3A_297 = arith.constant 0 : i32
        %dma_start3A_298 = arith.constant 0 : i32
        %dma_start3A_299 = tpu.memref_slice %arg2[%dma_start3A_297, %dma_start3A_298] : memref<2304x128xf32, #tpu.memory_space<hbm>> -> memref<2304x128xf32, #tpu.memory_space<hbm>>
        tpu.enqueue_indirect_dma source(%dma_start3A_299 : memref<2304x128xf32, #tpu.memory_space<hbm>>) target(%dma_start3A_295 : memref<128x128xf32, #tpu.memory_space<vmem>>) offsets(%dma_start3A_296 : memref<128xi32, #tpu.memory_space<vmem>>) semaphore(%arg14 : memref<!tpu.dma_semaphore, #tpu.memory_space<semaphore_mem>>)
        %dma_start3A_300 = arith.constant 0 : i32
        %dma_start3A_301 = arith.constant 0 : i32
        %dma_start3A_302 = arith.constant 0 : i32
        %dma_start3A_303 = tpu.memref_slice %arg11[%dma_start3A_300, %dma_start3A_301, %dma_start3A_302] : memref<2x128x128xf32, #tpu.memory_space<vmem>> -> memref<1x128x128xf32, #tpu.memory_space<vmem>>
        %dma_start3A_304 = tpu.memref_squeeze %dma_start3A_303 : memref<1x128x128xf32, #tpu.memory_space<vmem>> -> memref<128x128xf32, #tpu.memory_space<vmem>>
        %dma_start3A_305 = tpu.memref_slice %arg9[%mul3A_290] : memref<4608xi32, #tpu.memory_space<vmem>> -> memref<128xi32, #tpu.memory_space<vmem>>
        %dma_start3A_306 = arith.constant 0 : i32
        %dma_start3A_307 = arith.constant 0 : i32
        %dma_start3A_308 = tpu.memref_slice %arg3[%dma_start3A_306, %dma_start3A_307] : memref<2304x128xf32, #tpu.memory_space<hbm>> -> memref<2304x128xf32, #tpu.memory_space<hbm>>
        tpu.enqueue_indirect_dma source(%dma_start3A_308 : memref<2304x128xf32, #tpu.memory_space<hbm>>) target(%dma_start3A_304 : memref<128x128xf32, #tpu.memory_space<vmem>>) offsets(%dma_start3A_305 : memref<128xi32, #tpu.memory_space<vmem>>) semaphore(%arg14 : memref<!tpu.dma_semaphore, #tpu.memory_space<semaphore_mem>>)
      } else {
      }
      %mul3A_193 = arith.constant 128 : i32
      %mul3A_194 = arith.muli %add3A_185, %mul3A_193 : i32
      %mul3A_195 = arith.constant 128 : i32
      %mul3A_196 = arith.muli %add3A_185, %mul3A_195 : i32
      %dma_wait3A_197 = arith.constant 1 : i32
      %dma_wait3A_198 = arith.constant 0 : i32
      %dma_wait3A_199 = arith.constant 0 : i32
      %dma_wait3A_200 = tpu.memref_slice %arg10[%dma_wait3A_197, %dma_wait3A_198, %dma_wait3A_199] : memref<2x128x128xf32, #tpu.memory_space<vmem>> -> memref<1x128x128xf32, #tpu.memory_space<vmem>>
      %dma_wait3A_201 = tpu.memref_squeeze %dma_wait3A_200 : memref<1x128x128xf32, #tpu.memory_space<vmem>> -> memref<128x128xf32, #tpu.memory_space<vmem>>
      %dma_wait3A_202 = tpu.memref_slice %arg8[%mul3A_194] : memref<4608xi32, #tpu.memory_space<vmem>> -> memref<128xi32, #tpu.memory_space<vmem>>
      %dma_wait3A_203 = arith.constant 0 : i32
      %dma_wait3A_204 = arith.constant 0 : i32
      %dma_wait3A_205 = tpu.memref_slice %arg2[%dma_wait3A_203, %dma_wait3A_204] : memref<2304x128xf32, #tpu.memory_space<hbm>> -> memref<2304x128xf32, #tpu.memory_space<hbm>>
      tpu.wait_indirect_dma semaphore(%arg14 : memref<!tpu.dma_semaphore, #tpu.memory_space<semaphore_mem>>) src(%dma_wait3A_205 : memref<2304x128xf32, #tpu.memory_space<hbm>>) dst(%dma_wait3A_201 : memref<128x128xf32, #tpu.memory_space<vmem>>)
      %dma_wait3A_206 = arith.constant 1 : i32
      %dma_wait3A_207 = arith.constant 0 : i32
      %dma_wait3A_208 = arith.constant 0 : i32
      %dma_wait3A_209 = tpu.memref_slice %arg11[%dma_wait3A_206, %dma_wait3A_207, %dma_wait3A_208] : memref<2x128x128xf32, #tpu.memory_space<vmem>> -> memref<1x128x128xf32, #tpu.memory_space<vmem>>
      %dma_wait3A_210 = tpu.memref_squeeze %dma_wait3A_209 : memref<1x128x128xf32, #tpu.memory_space<vmem>> -> memref<128x128xf32, #tpu.memory_space<vmem>>
      %dma_wait3A_211 = tpu.memref_slice %arg9[%mul3A_196] : memref<4608xi32, #tpu.memory_space<vmem>> -> memref<128xi32, #tpu.memory_space<vmem>>
      %dma_wait3A_212 = arith.constant 0 : i32
      %dma_wait3A_213 = arith.constant 0 : i32
      %dma_wait3A_214 = tpu.memref_slice %arg3[%dma_wait3A_212, %dma_wait3A_213] : memref<2304x128xf32, #tpu.memory_space<hbm>> -> memref<2304x128xf32, #tpu.memory_space<hbm>>
      tpu.wait_indirect_dma semaphore(%arg14 : memref<!tpu.dma_semaphore, #tpu.memory_space<semaphore_mem>>) src(%dma_wait3A_214 : memref<2304x128xf32, #tpu.memory_space<hbm>>) dst(%dma_wait3A_210 : memref<128x128xf32, #tpu.memory_space<vmem>>)
      %scan3A_215 = arith.constant 0 : i32
      %scan3A_216 = arith.constant 128 : i32
      %scan3A_217 = arith.addi %scan3A_215, %scan3A_216 : i32
      %scan3A_218 = arith.constant 1 : i32
      %scan3A_219:8 = scf.for %scan3A_285 = %scan3A_215 to %scan3A_217 step %scan3A_218 iter_args(%scan3A_286 = %broadcast_in_dim3A_3, %scan3A_287 = %broadcast_in_dim3A_3, %scan3A_288 = %broadcast_in_dim3A_3, %scan3A_289 = %broadcast_in_dim3A_3, %scan3A_290 = %broadcast_in_dim3A_3, %scan3A_291 = %broadcast_in_dim3A_3, %scan3A_292 = %broadcast_in_dim3A_3, %scan3A_293 = %broadcast_in_dim3A_3) -> (vector<16xf32>, vector<16xf32>, vector<16xf32>, vector<16xf32>, vector<16xf32>, vector<16xf32>, vector<16xf32>, vector<16xf32>)  : i32 {
        %get3A_294 = arith.constant 1 : i32
        %get3A_295 = arith.index_cast %get3A_294 : i32 to index
        %get3A_296 = arith.index_cast %scan3A_285 : i32 to index
        %get3A_297 = arith.constant 0 : index
        %get3A_298 = tpu.vector_load %arg10[%get3A_295, %get3A_296, %get3A_297] {strides = array<i32>} : memref<2x128x128xf32, #tpu.memory_space<vmem>>, vector<1x1x16xf32>,
        %get3A_299 = vector.shape_cast %get3A_298 : vector<1x1x16xf32> to vector<16xf32>
        %get3A_300 = arith.constant 1 : i32
        %get3A_301 = arith.index_cast %get3A_300 : i32 to index
        %get3A_302 = arith.index_cast %scan3A_285 : i32 to index
        %get3A_303 = arith.constant 0 : index
        %get3A_304 = tpu.vector_load %arg11[%get3A_301, %get3A_302, %get3A_303] {strides = array<i32>} : memref<2x128x128xf32, #tpu.memory_space<vmem>>, vector<1x1x16xf32>,
        %get3A_305 = vector.shape_cast %get3A_304 : vector<1x1x16xf32> to vector<16xf32>
        %sub3A = arith.subf %get3A_299, %get3A_305 : vector<16xf32>
        %add3A_306 = arith.addf %sub3A, %get3A_36 : vector<16xf32>
        %gt3A = arith.constant 0.000000e+00 : f32
        %gt3A_307 = vector.broadcast %gt3A : f32 to vector<16xf32>
        %gt3A_308 = arith.cmpf ogt, %add3A_306, %gt3A_307 : vector<16xf32>
        %mul3A_309 = arith.constant 0.00999999977 : f32
        %mul3A_310 = vector.broadcast %mul3A_309 : f32 to vector<16xf32>
        %mul3A_311 = arith.mulf %mul3A_310, %add3A_306 : vector<16xf32>
        %select_n3A = arith.select %gt3A_308, %add3A_306, %mul3A_311 : vector<16xi1>, vector<16xf32>
        %add3A_312 = arith.addf %scan3A_286, %select_n3A : vector<16xf32>
        %get3A_313 = arith.constant 1 : i32
        %get3A_314 = arith.index_cast %get3A_313 : i32 to index
        %get3A_315 = arith.index_cast %scan3A_285 : i32 to index
        %get3A_316 = arith.constant 16 : index
        %get3A_317 = tpu.vector_load %arg10[%get3A_314, %get3A_315, %get3A_316] {strides = array<i32>} : memref<2x128x128xf32, #tpu.memory_space<vmem>>, vector<1x1x16xf32>,
        %get3A_318 = vector.shape_cast %get3A_317 : vector<1x1x16xf32> to vector<16xf32>
        %get3A_319 = arith.constant 1 : i32
        %get3A_320 = arith.index_cast %get3A_319 : i32 to index
        %get3A_321 = arith.index_cast %scan3A_285 : i32 to index
        %get3A_322 = arith.constant 16 : index
        %get3A_323 = tpu.vector_load %arg11[%get3A_320, %get3A_321, %get3A_322] {strides = array<i32>} : memref<2x128x128xf32, #tpu.memory_space<vmem>>, vector<1x1x16xf32>,
        %get3A_324 = vector.shape_cast %get3A_323 : vector<1x1x16xf32> to vector<16xf32>
        %sub3A_325 = arith.subf %get3A_318, %get3A_324 : vector<16xf32>
        %add3A_326 = arith.addf %sub3A_325, %get3A_39 : vector<16xf32>
        %gt3A_327 = arith.constant 0.000000e+00 : f32
        %gt3A_328 = vector.broadcast %gt3A_327 : f32 to vector<16xf32>
        %gt3A_329 = arith.cmpf ogt, %add3A_326, %gt3A_328 : vector<16xf32>
        %mul3A_330 = arith.constant 0.00999999977 : f32
        %mul3A_331 = vector.broadcast %mul3A_330 : f32 to vector<16xf32>
        %mul3A_332 = arith.mulf %mul3A_331, %add3A_326 : vector<16xf32>
        %select_n3A_333 = arith.select %gt3A_329, %add3A_326, %mul3A_332 : vector<16xi1>, vector<16xf32>
        %add3A_334 = arith.addf %scan3A_287, %select_n3A_333 : vector<16xf32>
        %get3A_335 = arith.constant 1 : i32
        %get3A_336 = arith.index_cast %get3A_335 : i32 to index
        %get3A_337 = arith.index_cast %scan3A_285 : i32 to index
        %get3A_338 = arith.constant 32 : index
        %get3A_339 = tpu.vector_load %arg10[%get3A_336, %get3A_337, %get3A_338] {strides = array<i32>} : memref<2x128x128xf32, #tpu.memory_space<vmem>>, vector<1x1x16xf32>,
        %get3A_340 = vector.shape_cast %get3A_339 : vector<1x1x16xf32> to vector<16xf32>
        %get3A_341 = arith.constant 1 : i32
        %get3A_342 = arith.index_cast %get3A_341 : i32 to index
        %get3A_343 = arith.index_cast %scan3A_285 : i32 to index
        %get3A_344 = arith.constant 32 : index
        %get3A_345 = tpu.vector_load %arg11[%get3A_342, %get3A_343, %get3A_344] {strides = array<i32>} : memref<2x128x128xf32, #tpu.memory_space<vmem>>, vector<1x1x16xf32>,
        %get3A_346 = vector.shape_cast %get3A_345 : vector<1x1x16xf32> to vector<16xf32>
        %sub3A_347 = arith.subf %get3A_340, %get3A_346 : vector<16xf32>
        %add3A_348 = arith.addf %sub3A_347, %get3A_42 : vector<16xf32>
        %gt3A_349 = arith.constant 0.000000e+00 : f32
        %gt3A_350 = vector.broadcast %gt3A_349 : f32 to vector<16xf32>
        %gt3A_351 = arith.cmpf ogt, %add3A_348, %gt3A_350 : vector<16xf32>
        %mul3A_352 = arith.constant 0.00999999977 : f32
        %mul3A_353 = vector.broadcast %mul3A_352 : f32 to vector<16xf32>
        %mul3A_354 = arith.mulf %mul3A_353, %add3A_348 : vector<16xf32>
        %select_n3A_355 = arith.select %gt3A_351, %add3A_348, %mul3A_354 : vector<16xi1>, vector<16xf32>
        %add3A_356 = arith.addf %scan3A_288, %select_n3A_355 : vector<16xf32>
        %get3A_357 = arith.constant 1 : i32
        %get3A_358 = arith.index_cast %get3A_357 : i32 to index
        %get3A_359 = arith.index_cast %scan3A_285 : i32 to index
        %get3A_360 = arith.constant 48 : index
        %get3A_361 = tpu.vector_load %arg10[%get3A_358, %get3A_359, %get3A_360] {strides = array<i32>} : memref<2x128x128xf32, #tpu.memory_space<vmem>>, vector<1x1x16xf32>,
        %get3A_362 = vector.shape_cast %get3A_361 : vector<1x1x16xf32> to vector<16xf32>
        %get3A_363 = arith.constant 1 : i32
        %get3A_364 = arith.index_cast %get3A_363 : i32 to index
        %get3A_365 = arith.index_cast %scan3A_285 : i32 to index
        %get3A_366 = arith.constant 48 : index
        %get3A_367 = tpu.vector_load %arg11[%get3A_364, %get3A_365, %get3A_366] {strides = array<i32>} : memref<2x128x128xf32, #tpu.memory_space<vmem>>, vector<1x1x16xf32>,
        %get3A_368 = vector.shape_cast %get3A_367 : vector<1x1x16xf32> to vector<16xf32>
        %sub3A_369 = arith.subf %get3A_362, %get3A_368 : vector<16xf32>
        %add3A_370 = arith.addf %sub3A_369, %get3A_45 : vector<16xf32>
        %gt3A_371 = arith.constant 0.000000e+00 : f32
        %gt3A_372 = vector.broadcast %gt3A_371 : f32 to vector<16xf32>
        %gt3A_373 = arith.cmpf ogt, %add3A_370, %gt3A_372 : vector<16xf32>
        %mul3A_374 = arith.constant 0.00999999977 : f32
        %mul3A_375 = vector.broadcast %mul3A_374 : f32 to vector<16xf32>
        %mul3A_376 = arith.mulf %mul3A_375, %add3A_370 : vector<16xf32>
        %select_n3A_377 = arith.select %gt3A_373, %add3A_370, %mul3A_376 : vector<16xi1>, vector<16xf32>
        %add3A_378 = arith.addf %scan3A_289, %select_n3A_377 : vector<16xf32>
        %get3A_379 = arith.constant 1 : i32
        %get3A_380 = arith.index_cast %get3A_379 : i32 to index
        %get3A_381 = arith.index_cast %scan3A_285 : i32 to index
        %get3A_382 = arith.constant 64 : index
        %get3A_383 = tpu.vector_load %arg10[%get3A_380, %get3A_381, %get3A_382] {strides = array<i32>} : memref<2x128x128xf32, #tpu.memory_space<vmem>>, vector<1x1x16xf32>,
        %get3A_384 = vector.shape_cast %get3A_383 : vector<1x1x16xf32> to vector<16xf32>
        %get3A_385 = arith.constant 1 : i32
        %get3A_386 = arith.index_cast %get3A_385 : i32 to index
        %get3A_387 = arith.index_cast %scan3A_285 : i32 to index
        %get3A_388 = arith.constant 64 : index
        %get3A_389 = tpu.vector_load %arg11[%get3A_386, %get3A_387, %get3A_388] {strides = array<i32>} : memref<2x128x128xf32, #tpu.memory_space<vmem>>, vector<1x1x16xf32>,
        %get3A_390 = vector.shape_cast %get3A_389 : vector<1x1x16xf32> to vector<16xf32>
        %sub3A_391 = arith.subf %get3A_390, %get3A_384 : vector<16xf32>
        %add3A_392 = arith.addf %sub3A_391, %get3A_48 : vector<16xf32>
        %gt3A_393 = arith.constant 0.000000e+00 : f32
        %gt3A_394 = vector.broadcast %gt3A_393 : f32 to vector<16xf32>
        %gt3A_395 = arith.cmpf ogt, %add3A_392, %gt3A_394 : vector<16xf32>
        %mul3A_396 = arith.constant 0.00999999977 : f32
        %mul3A_397 = vector.broadcast %mul3A_396 : f32 to vector<16xf32>
        %mul3A_398 = arith.mulf %mul3A_397, %add3A_392 : vector<16xf32>
        %select_n3A_399 = arith.select %gt3A_395, %add3A_392, %mul3A_398 : vector<16xi1>, vector<16xf32>
        %add3A_400 = arith.addf %scan3A_290, %select_n3A_399 : vector<16xf32>
        %get3A_401 = arith.constant 1 : i32
        %get3A_402 = arith.index_cast %get3A_401 : i32 to index
        %get3A_403 = arith.index_cast %scan3A_285 : i32 to index
        %get3A_404 = arith.constant 80 : index
        %get3A_405 = tpu.vector_load %arg10[%get3A_402, %get3A_403, %get3A_404] {strides = array<i32>} : memref<2x128x128xf32, #tpu.memory_space<vmem>>, vector<1x1x16xf32>,
        %get3A_406 = vector.shape_cast %get3A_405 : vector<1x1x16xf32> to vector<16xf32>
        %get3A_407 = arith.constant 1 : i32
        %get3A_408 = arith.index_cast %get3A_407 : i32 to index
        %get3A_409 = arith.index_cast %scan3A_285 : i32 to index
        %get3A_410 = arith.constant 80 : index
        %get3A_411 = tpu.vector_load %arg11[%get3A_408, %get3A_409, %get3A_410] {strides = array<i32>} : memref<2x128x128xf32, #tpu.memory_space<vmem>>, vector<1x1x16xf32>,
        %get3A_412 = vector.shape_cast %get3A_411 : vector<1x1x16xf32> to vector<16xf32>
        %sub3A_413 = arith.subf %get3A_412, %get3A_406 : vector<16xf32>
        %add3A_414 = arith.addf %sub3A_413, %get3A_51 : vector<16xf32>
        %gt3A_415 = arith.constant 0.000000e+00 : f32
        %gt3A_416 = vector.broadcast %gt3A_415 : f32 to vector<16xf32>
        %gt3A_417 = arith.cmpf ogt, %add3A_414, %gt3A_416 : vector<16xf32>
        %mul3A_418 = arith.constant 0.00999999977 : f32
        %mul3A_419 = vector.broadcast %mul3A_418 : f32 to vector<16xf32>
        %mul3A_420 = arith.mulf %mul3A_419, %add3A_414 : vector<16xf32>
        %select_n3A_421 = arith.select %gt3A_417, %add3A_414, %mul3A_420 : vector<16xi1>, vector<16xf32>
        %add3A_422 = arith.addf %scan3A_291, %select_n3A_421 : vector<16xf32>
        %get3A_423 = arith.constant 1 : i32
        %get3A_424 = arith.index_cast %get3A_423 : i32 to index
        %get3A_425 = arith.index_cast %scan3A_285 : i32 to index
        %get3A_426 = arith.constant 96 : index
        %get3A_427 = tpu.vector_load %arg10[%get3A_424, %get3A_425, %get3A_426] {strides = array<i32>} : memref<2x128x128xf32, #tpu.memory_space<vmem>>, vector<1x1x16xf32>,
        %get3A_428 = vector.shape_cast %get3A_427 : vector<1x1x16xf32> to vector<16xf32>
        %get3A_429 = arith.constant 1 : i32
        %get3A_430 = arith.index_cast %get3A_429 : i32 to index
        %get3A_431 = arith.index_cast %scan3A_285 : i32 to index
        %get3A_432 = arith.constant 96 : index
        %get3A_433 = tpu.vector_load %arg11[%get3A_430, %get3A_431, %get3A_432] {strides = array<i32>} : memref<2x128x128xf32, #tpu.memory_space<vmem>>, vector<1x1x16xf32>,
        %get3A_434 = vector.shape_cast %get3A_433 : vector<1x1x16xf32> to vector<16xf32>
        %sub3A_435 = arith.subf %get3A_434, %get3A_428 : vector<16xf32>
        %add3A_436 = arith.addf %sub3A_435, %get3A_54 : vector<16xf32>
        %gt3A_437 = arith.constant 0.000000e+00 : f32
        %gt3A_438 = vector.broadcast %gt3A_437 : f32 to vector<16xf32>
        %gt3A_439 = arith.cmpf ogt, %add3A_436, %gt3A_438 : vector<16xf32>
        %mul3A_440 = arith.constant 0.00999999977 : f32
        %mul3A_441 = vector.broadcast %mul3A_440 : f32 to vector<16xf32>
        %mul3A_442 = arith.mulf %mul3A_441, %add3A_436 : vector<16xf32>
        %select_n3A_443 = arith.select %gt3A_439, %add3A_436, %mul3A_442 : vector<16xi1>, vector<16xf32>
        %add3A_444 = arith.addf %scan3A_292, %select_n3A_443 : vector<16xf32>
        %get3A_445 = arith.constant 1 : i32
        %get3A_446 = arith.index_cast %get3A_445 : i32 to index
        %get3A_447 = arith.index_cast %scan3A_285 : i32 to index
        %get3A_448 = arith.constant 112 : index
        %get3A_449 = tpu.vector_load %arg10[%get3A_446, %get3A_447, %get3A_448] {strides = array<i32>} : memref<2x128x128xf32, #tpu.memory_space<vmem>>, vector<1x1x16xf32>,
        %get3A_450 = vector.shape_cast %get3A_449 : vector<1x1x16xf32> to vector<16xf32>
        %get3A_451 = arith.constant 1 : i32
        %get3A_452 = arith.index_cast %get3A_451 : i32 to index
        %get3A_453 = arith.index_cast %scan3A_285 : i32 to index
        %get3A_454 = arith.constant 112 : index
        %get3A_455 = tpu.vector_load %arg11[%get3A_452, %get3A_453, %get3A_454] {strides = array<i32>} : memref<2x128x128xf32, #tpu.memory_space<vmem>>, vector<1x1x16xf32>,
        %get3A_456 = vector.shape_cast %get3A_455 : vector<1x1x16xf32> to vector<16xf32>
        %sub3A_457 = arith.subf %get3A_456, %get3A_450 : vector<16xf32>
        %add3A_458 = arith.addf %sub3A_457, %get3A_57 : vector<16xf32>
        %gt3A_459 = arith.constant 0.000000e+00 : f32
        %gt3A_460 = vector.broadcast %gt3A_459 : f32 to vector<16xf32>
        %gt3A_461 = arith.cmpf ogt, %add3A_458, %gt3A_460 : vector<16xf32>
        %mul3A_462 = arith.constant 0.00999999977 : f32
        %mul3A_463 = vector.broadcast %mul3A_462 : f32 to vector<16xf32>
        %mul3A_464 = arith.mulf %mul3A_463, %add3A_458 : vector<16xf32>
        %select_n3A_465 = arith.select %gt3A_461, %add3A_458, %mul3A_464 : vector<16xi1>, vector<16xf32>
        %add3A_466 = arith.addf %scan3A_293, %select_n3A_465 : vector<16xf32>
        scf.yield %add3A_312, %add3A_334, %add3A_356, %add3A_378, %add3A_400, %add3A_422, %add3A_444, %add3A_466 : vector<16xf32>, vector<16xf32>, vector<16xf32>, vector<16xf32>, vector<16xf32>, vector<16xf32>, vector<16xf32>, vector<16xf32>
      }
      %scan3A_220 = arith.constant 128 : i32
      %get3A_221 = arith.constant 0 : index
      %get3A_222 = tpu.vector_load %arg13[%get3A_221] {strides = array<i32>} : memref<128xf32, #tpu.memory_space<vmem>>, vector<16xf32>,
      %get3A_223 = vector.shape_cast %get3A_222 : vector<16xf32> to vector<16xf32>
      %add3A_224 = arith.addf %get3A_223, %scan3A_219#0 : vector<16xf32>
      %swap3A_225 = arith.constant 0 : index
      %swap3A_226 = tpu.vector_load %arg13[%swap3A_225] {strides = array<i32>} : memref<128xf32, #tpu.memory_space<vmem>>, vector<16xf32>,
      %swap3A_227 = vector.shape_cast %swap3A_226 : vector<16xf32> to vector<16xf32>
      %swap3A_228 = vector.shape_cast %add3A_224 : vector<16xf32> to vector<16xf32>
      tpu.vector_store %arg13[%swap3A_225], %swap3A_228 {strides = array<i32>} : memref<128xf32, #tpu.memory_space<vmem>>, vector<16xf32>,
      %get3A_229 = arith.constant 16 : index
      %get3A_230 = tpu.vector_load %arg13[%get3A_229] {strides = array<i32>} : memref<128xf32, #tpu.memory_space<vmem>>, vector<16xf32>,
      %get3A_231 = vector.shape_cast %get3A_230 : vector<16xf32> to vector<16xf32>
      %add3A_232 = arith.addf %get3A_231, %scan3A_219#1 : vector<16xf32>
      %swap3A_233 = arith.constant 16 : index
      %swap3A_234 = tpu.vector_load %arg13[%swap3A_233] {strides = array<i32>} : memref<128xf32, #tpu.memory_space<vmem>>, vector<16xf32>,
      %swap3A_235 = vector.shape_cast %swap3A_234 : vector<16xf32> to vector<16xf32>
      %swap3A_236 = vector.shape_cast %add3A_232 : vector<16xf32> to vector<16xf32>
      tpu.vector_store %arg13[%swap3A_233], %swap3A_236 {strides = array<i32>} : memref<128xf32, #tpu.memory_space<vmem>>, vector<16xf32>,
      %get3A_237 = arith.constant 32 : index
      %get3A_238 = tpu.vector_load %arg13[%get3A_237] {strides = array<i32>} : memref<128xf32, #tpu.memory_space<vmem>>, vector<16xf32>,
      %get3A_239 = vector.shape_cast %get3A_238 : vector<16xf32> to vector<16xf32>
      %add3A_240 = arith.addf %get3A_239, %scan3A_219#2 : vector<16xf32>
      %swap3A_241 = arith.constant 32 : index
      %swap3A_242 = tpu.vector_load %arg13[%swap3A_241] {strides = array<i32>} : memref<128xf32, #tpu.memory_space<vmem>>, vector<16xf32>,
      %swap3A_243 = vector.shape_cast %swap3A_242 : vector<16xf32> to vector<16xf32>
      %swap3A_244 = vector.shape_cast %add3A_240 : vector<16xf32> to vector<16xf32>
      tpu.vector_store %arg13[%swap3A_241], %swap3A_244 {strides = array<i32>} : memref<128xf32, #tpu.memory_space<vmem>>, vector<16xf32>,
      %get3A_245 = arith.constant 48 : index
      %get3A_246 = tpu.vector_load %arg13[%get3A_245] {strides = array<i32>} : memref<128xf32, #tpu.memory_space<vmem>>, vector<16xf32>,
      %get3A_247 = vector.shape_cast %get3A_246 : vector<16xf32> to vector<16xf32>
      %add3A_248 = arith.addf %get3A_247, %scan3A_219#3 : vector<16xf32>
      %swap3A_249 = arith.constant 48 : index
      %swap3A_250 = tpu.vector_load %arg13[%swap3A_249] {strides = array<i32>} : memref<128xf32, #tpu.memory_space<vmem>>, vector<16xf32>,
      %swap3A_251 = vector.shape_cast %swap3A_250 : vector<16xf32> to vector<16xf32>
      %swap3A_252 = vector.shape_cast %add3A_248 : vector<16xf32> to vector<16xf32>
      tpu.vector_store %arg13[%swap3A_249], %swap3A_252 {strides = array<i32>} : memref<128xf32, #tpu.memory_space<vmem>>, vector<16xf32>,
      %get3A_253 = arith.constant 64 : index
      %get3A_254 = tpu.vector_load %arg13[%get3A_253] {strides = array<i32>} : memref<128xf32, #tpu.memory_space<vmem>>, vector<16xf32>,
      %get3A_255 = vector.shape_cast %get3A_254 : vector<16xf32> to vector<16xf32>
      %add3A_256 = arith.addf %get3A_255, %scan3A_219#4 : vector<16xf32>
      %swap3A_257 = arith.constant 64 : index
      %swap3A_258 = tpu.vector_load %arg13[%swap3A_257] {strides = array<i32>} : memref<128xf32, #tpu.memory_space<vmem>>, vector<16xf32>,
      %swap3A_259 = vector.shape_cast %swap3A_258 : vector<16xf32> to vector<16xf32>
      %swap3A_260 = vector.shape_cast %add3A_256 : vector<16xf32> to vector<16xf32>
      tpu.vector_store %arg13[%swap3A_257], %swap3A_260 {strides = array<i32>} : memref<128xf32, #tpu.memory_space<vmem>>, vector<16xf32>,
      %get3A_261 = arith.constant 80 : index
      %get3A_262 = tpu.vector_load %arg13[%get3A_261] {strides = array<i32>} : memref<128xf32, #tpu.memory_space<vmem>>, vector<16xf32>,
      %get3A_263 = vector.shape_cast %get3A_262 : vector<16xf32> to vector<16xf32>
      %add3A_264 = arith.addf %get3A_263, %scan3A_219#5 : vector<16xf32>
      %swap3A_265 = arith.constant 80 : index
      %swap3A_266 = tpu.vector_load %arg13[%swap3A_265] {strides = array<i32>} : memref<128xf32, #tpu.memory_space<vmem>>, vector<16xf32>,
      %swap3A_267 = vector.shape_cast %swap3A_266 : vector<16xf32> to vector<16xf32>
      %swap3A_268 = vector.shape_cast %add3A_264 : vector<16xf32> to vector<16xf32>
      tpu.vector_store %arg13[%swap3A_265], %swap3A_268 {strides = array<i32>} : memref<128xf32, #tpu.memory_space<vmem>>, vector<16xf32>,
      %get3A_269 = arith.constant 96 : index
      %get3A_270 = tpu.vector_load %arg13[%get3A_269] {strides = array<i32>} : memref<128xf32, #tpu.memory_space<vmem>>, vector<16xf32>,
      %get3A_271 = vector.shape_cast %get3A_270 : vector<16xf32> to vector<16xf32>
      %add3A_272 = arith.addf %get3A_271, %scan3A_219#6 : vector<16xf32>
      %swap3A_273 = arith.constant 96 : index
      %swap3A_274 = tpu.vector_load %arg13[%swap3A_273] {strides = array<i32>} : memref<128xf32, #tpu.memory_space<vmem>>, vector<16xf32>,
      %swap3A_275 = vector.shape_cast %swap3A_274 : vector<16xf32> to vector<16xf32>
      %swap3A_276 = vector.shape_cast %add3A_272 : vector<16xf32> to vector<16xf32>
      tpu.vector_store %arg13[%swap3A_273], %swap3A_276 {strides = array<i32>} : memref<128xf32, #tpu.memory_space<vmem>>, vector<16xf32>,
      %get3A_277 = arith.constant 112 : index
      %get3A_278 = tpu.vector_load %arg13[%get3A_277] {strides = array<i32>} : memref<128xf32, #tpu.memory_space<vmem>>, vector<16xf32>,
      %get3A_279 = vector.shape_cast %get3A_278 : vector<16xf32> to vector<16xf32>
      %add3A_280 = arith.addf %get3A_279, %scan3A_219#7 : vector<16xf32>
      %swap3A_281 = arith.constant 112 : index
      %swap3A_282 = tpu.vector_load %arg13[%swap3A_281] {strides = array<i32>} : memref<128xf32, #tpu.memory_space<vmem>>, vector<16xf32>,
      %swap3A_283 = vector.shape_cast %swap3A_282 : vector<16xf32> to vector<16xf32>
      %swap3A_284 = vector.shape_cast %add3A_280 : vector<16xf32> to vector<16xf32>
      tpu.vector_store %arg13[%swap3A_281], %swap3A_284 {strides = array<i32>} : memref<128xf32, #tpu.memory_space<vmem>>, vector<16xf32>,
    }
    %scan3A_81 = arith.constant 18 : i32
    "tpu.region"() ({
      %run_scoped3A = tpu.sem_alloc : memref<!tpu.dma_semaphore, #tpu.memory_space<semaphore_mem>>
      %dma_start3A_82 = arith.constant 0 : i32
      %dma_start3A_83 = tpu.memref_slice %arg7[%add3A, %dma_start3A_82] : memref<32x128xf32, #tpu.memory_space<hbm>> -> memref<1x128xf32, #tpu.memory_space<hbm>>
      %dma_start3A_84 = tpu.memref_squeeze %dma_start3A_83 : memref<1x128xf32, #tpu.memory_space<hbm>> -> memref<128xf32, #tpu.memory_space<hbm>>
      %dma_start3A_85 = arith.constant 0 : i32
      %dma_start3A_86 = tpu.memref_slice %arg7[%add3A, %dma_start3A_85] : memref<32x128xf32, #tpu.memory_space<hbm>> -> memref<1x128xf32, #tpu.memory_space<hbm>>
      %dma_start3A_87 = tpu.memref_squeeze %dma_start3A_86 : memref<1x128xf32, #tpu.memory_space<hbm>> -> memref<128xf32, #tpu.memory_space<hbm>>
      tpu.enqueue_dma source(%arg13 : memref<128xf32, #tpu.memory_space<vmem>>) target(%dma_start3A_87 : memref<128xf32, #tpu.memory_space<hbm>>) target_semaphore(%run_scoped3A : memref<!tpu.dma_semaphore, #tpu.memory_space<semaphore_mem>>)
      %dma_wait3A = arith.constant 0 : i32
      %dma_wait3A_88 = tpu.memref_slice %arg7[%add3A, %dma_wait3A] : memref<32x128xf32, #tpu.memory_space<hbm>> -> memref<1x128xf32, #tpu.memory_space<hbm>>
      %dma_wait3A_89 = tpu.memref_squeeze %dma_wait3A_88 : memref<1x128xf32, #tpu.memory_space<hbm>> -> memref<128xf32, #tpu.memory_space<hbm>>
      %dma_wait3A_90 = arith.constant 0 : i32
      %dma_wait3A_91 = tpu.memref_slice %arg7[%add3A, %dma_wait3A_90] : memref<32x128xf32, #tpu.memory_space<hbm>> -> memref<1x128xf32, #tpu.memory_space<hbm>>
      %dma_wait3A_92 = tpu.memref_squeeze %dma_wait3A_91 : memref<1x128xf32, #tpu.memory_space<hbm>> -> memref<128xf32, #tpu.memory_space<hbm>>
      tpu.wait_dma2 semaphore(%run_scoped3A : memref<!tpu.dma_semaphore, #tpu.memory_space<semaphore_mem>>) src(%arg13 : memref<128xf32, #tpu.memory_space<vmem>>) dst(%dma_wait3A_92 : memref<128xf32, #tpu.memory_space<hbm>>)
      tpu.yield
    }) : () -> ()
    return
  }
}

module attributes {stable_mosaic.version = 14 : i64} {
  func.func @_prep_body(%arg0: i32, %arg1: memref<1x64x96x96xf32, #tpu.memory_space<vmem>>, %arg2: memref<1x64x96x96xf32, #tpu.memory_space<vmem>>, %arg3: memref<48x96xf32, #tpu.memory_space<vmem>>, %arg4: memref<48x96xf32, #tpu.memory_space<vmem>>, %arg5: memref<64x64xf32, #tpu.memory_space<vmem>>, %arg6: memref<64x64xf32, #tpu.memory_space<vmem>>, %arg7: memref<64x64xf32, #tpu.memory_space<vmem>>, %arg8: memref<64x64xf32, #tpu.memory_space<vmem>>, %arg9: memref<1x64x48x48xf32, #tpu.memory_space<vmem>>, %arg10: memref<1x64x48x48xf32, #tpu.memory_space<vmem>>, %arg11: memref<1x1x48x48xf32, #tpu.memory_space<vmem>>, %arg12: memref<1x64x48x48xf32, #tpu.memory_space<vmem>>, %arg13: memref<1x64x48x48xf32, #tpu.memory_space<vmem>>, %arg14: memref<1x1x48x48xf32, #tpu.memory_space<vmem>>, %arg15: memref<128x48x48xf32, #tpu.memory_space<vmem>>, %arg16: memref<128x48x48xf32, #tpu.memory_space<vmem>>) attributes {dimension_semantics = [#tpu.dimension_semantics<arbitrary>], iteration_bounds = array<i64: 4>, scalar_prefetch = 0 : i64, scratch_operands = 0 : i64, tpu.core_type = #tpu.core_type<tc>, window_params = [{transform_indices = @transform_0, window_bounds = array<i64: 1, 64, 96, 96>}, {transform_indices = @transform_1, window_bounds = array<i64: 1, 64, 96, 96>}, {pipeline_mode = #tpu.pipeline_mode<synchronous>, transform_indices = @transform_2, window_bounds = array<i64: 48, 96>}, {pipeline_mode = #tpu.pipeline_mode<synchronous>, transform_indices = @transform_3, window_bounds = array<i64: 48, 96>}, {pipeline_mode = #tpu.pipeline_mode<synchronous>, transform_indices = @transform_4, window_bounds = array<i64: 64, 64>}, {pipeline_mode = #tpu.pipeline_mode<synchronous>, transform_indices = @transform_5, window_bounds = array<i64: 64, 64>}, {pipeline_mode = #tpu.pipeline_mode<synchronous>, transform_indices = @transform_6, window_bounds = array<i64: 64, 64>}, {pipeline_mode = #tpu.pipeline_mode<synchronous>, transform_indices = @transform_7, window_bounds = array<i64: 64, 64>}, {transform_indices = @transform_8, window_bounds = array<i64: 1, 64, 48, 48>}, {transform_indices = @transform_9, window_bounds = array<i64: 1, 64, 48, 48>}, {transform_indices = @transform_10, window_bounds = array<i64: 1, 1, 48, 48>}, {transform_indices = @transform_11, window_bounds = array<i64: 1, 64, 48, 48>}, {transform_indices = @transform_12, window_bounds = array<i64: 1, 64, 48, 48>}, {transform_indices = @transform_13, window_bounds = array<i64: 1, 1, 48, 48>}, {pipeline_mode = #tpu.pipeline_mode<synchronous>, transform_indices = @transform_14, window_bounds = array<i64: 128, 48, 48>}, {pipeline_mode = #tpu.pipeline_mode<synchronous>, transform_indices = @transform_15, window_bounds = array<i64: 128, 48, 48>}]} {
    %get3A = arith.constant 0 : index
    %get3A_0 = arith.constant 0 : index
    %get3A_1 = vector.load %arg3[%get3A, %get3A_0] : memref<48x96xf32, #tpu.memory_space<vmem>>, vector<48x96xf32>
    %get3A_2 = arith.constant 0 : index
    %get3A_3 = arith.constant 0 : index
    %get3A_4 = vector.load %arg4[%get3A_2, %get3A_3] : memref<48x96xf32, #tpu.memory_space<vmem>>, vector<48x96xf32>
    %get3A_5 = arith.constant 0 : index
    %get3A_6 = arith.constant 0 : index
    %get3A_7 = arith.constant 0 : index
    %get3A_8 = arith.constant 0 : index
    %get3A_9 = vector.load %arg1[%get3A_5, %get3A_6, %get3A_7, %get3A_8] : memref<1x64x96x96xf32, #tpu.memory_space<vmem>>, vector<1x64x96x96xf32>
    %get3A_10 = vector.shape_cast %get3A_9 : vector<1x64x96x96xf32> to vector<64x96x96xf32>
    %dot_general3A = arith.constant dense<0.000000e+00> : vector<64x96x48xf32>
    %dot_general3A_11 = tpu.matmul %get3A_10, %get3A_1, %dot_general3A {dimension_numbers = #tpu.dot_dimension_numbers<[1], [1], [0, 2], [0], [0, 0, 0, 2, 1, 0], [], []>, transpose_lhs_hint = false} : vector<64x96x96xf32>, vector<48x96xf32>, vector<64x96x48xf32> -> vector<64x96x48xf32>
    %dot_general3A_12 = arith.constant dense<0.000000e+00> : vector<64x96x48xf32>
    %dot_general3A_13 = tpu.matmul %get3A_10, %get3A_4, %dot_general3A_12 {dimension_numbers = #tpu.dot_dimension_numbers<[1], [1], [0, 2], [0], [0, 0, 0, 2, 1, 0], [], []>, transpose_lhs_hint = false} : vector<64x96x96xf32>, vector<48x96xf32>, vector<64x96x48xf32> -> vector<64x96x48xf32>
    %max3A = arith.maximumf %dot_general3A_11, %dot_general3A_13 : vector<64x96x48xf32>
    %dot_general3A_14 = arith.constant dense<0.000000e+00> : vector<64x48x48xf32>
    %dot_general3A_15 = tpu.matmul %max3A, %get3A_1, %dot_general3A_14 {dimension_numbers = #tpu.dot_dimension_numbers<[1], [1], [0, 2], [0], [0, 0, 0, 2, 1, 0], [], []>, transpose_lhs_hint = false} : vector<64x96x48xf32>, vector<48x96xf32>, vector<64x48x48xf32> -> vector<64x48x48xf32>
    %dot_general3A_16 = arith.constant dense<0.000000e+00> : vector<64x48x48xf32>
    %dot_general3A_17 = tpu.matmul %max3A, %get3A_4, %dot_general3A_16 {dimension_numbers = #tpu.dot_dimension_numbers<[1], [1], [0, 2], [0], [0, 0, 0, 2, 1, 0], [], []>, transpose_lhs_hint = false} : vector<64x96x48xf32>, vector<48x96xf32>, vector<64x48x48xf32> -> vector<64x48x48xf32>
    %max3A_18 = arith.maximumf %dot_general3A_15, %dot_general3A_17 : vector<64x48x48xf32>
    %mul3A = arith.mulf %max3A_18, %max3A_18 : vector<64x48x48xf32>
    %reduce_sum3A = arith.constant dense<0.000000e+00> : vector<48x48xf32>
    %reduce_sum3A_19 = vector.multi_reduction <add>, %mul3A, %reduce_sum3A [0] : vector<64x48x48xf32> to vector<48x48xf32>
    %broadcast_in_dim3A = vector.shape_cast %reduce_sum3A_19 : vector<48x48xf32> to vector<1x48x48xf32>
    %sqrt3A = math.sqrt %broadcast_in_dim3A : vector<1x48x48xf32>
    %max3A_20 = arith.constant 9.99999996E-13 : f32
    %max3A_21 = vector.broadcast %max3A_20 : f32 to vector<1x48x48xf32>
    %max3A_22 = arith.maximumf %sqrt3A, %max3A_21 : vector<1x48x48xf32>
    %div3A = vector.broadcast %max3A_22 : vector<1x48x48xf32> to vector<64x48x48xf32>
    %div3A_23 = arith.divf %max3A_18, %div3A : vector<64x48x48xf32>
    %swap3A = arith.constant 0 : index
    %swap3A_24 = arith.constant 0 : index
    %swap3A_25 = arith.constant 0 : index
    %swap3A_26 = arith.constant 0 : index
    %swap3A_27 = vector.load %arg9[%swap3A, %swap3A_24, %swap3A_25, %swap3A_26] : memref<1x64x48x48xf32, #tpu.memory_space<vmem>>, vector<1x64x48x48xf32>
    %swap3A_28 = vector.shape_cast %swap3A_27 : vector<1x64x48x48xf32> to vector<64x48x48xf32>
    %swap3A_29 = vector.shape_cast %max3A_18 : vector<64x48x48xf32> to vector<1x64x48x48xf32>
    tpu.vector_store %arg9[%swap3A, %swap3A_24, %swap3A_25, %swap3A_26], %swap3A_29 {strides = array<i32>} : memref<1x64x48x48xf32, #tpu.memory_space<vmem>>, vector<1x64x48x48xf32>,
    %swap3A_30 = arith.constant 0 : index
    %swap3A_31 = arith.constant 0 : index
    %swap3A_32 = arith.constant 0 : index
    %swap3A_33 = arith.constant 0 : index
    %swap3A_34 = vector.load %arg10[%swap3A_30, %swap3A_31, %swap3A_32, %swap3A_33] : memref<1x64x48x48xf32, #tpu.memory_space<vmem>>, vector<1x64x48x48xf32>
    %swap3A_35 = vector.shape_cast %swap3A_34 : vector<1x64x48x48xf32> to vector<64x48x48xf32>
    %swap3A_36 = vector.shape_cast %div3A_23 : vector<64x48x48xf32> to vector<1x64x48x48xf32>
    tpu.vector_store %arg10[%swap3A_30, %swap3A_31, %swap3A_32, %swap3A_33], %swap3A_36 {strides = array<i32>} : memref<1x64x48x48xf32, #tpu.memory_space<vmem>>, vector<1x64x48x48xf32>,
    %mul3A_37 = arith.mulf %div3A_23, %div3A_23 : vector<64x48x48xf32>
    %reduce_sum3A_38 = arith.constant dense<0.000000e+00> : vector<48x48xf32>
    %reduce_sum3A_39 = vector.multi_reduction <add>, %mul3A_37, %reduce_sum3A_38 [0] : vector<64x48x48xf32> to vector<48x48xf32>
    %broadcast_in_dim3A_40 = vector.shape_cast %reduce_sum3A_39 : vector<48x48xf32> to vector<1x48x48xf32>
    %swap3A_41 = arith.constant 0 : index
    %swap3A_42 = arith.constant 0 : index
    %swap3A_43 = arith.constant 0 : index
    %swap3A_44 = arith.constant 0 : index
    %swap3A_45 = vector.load %arg11[%swap3A_41, %swap3A_42, %swap3A_43, %swap3A_44] : memref<1x1x48x48xf32, #tpu.memory_space<vmem>>, vector<1x1x48x48xf32>
    %swap3A_46 = vector.shape_cast %swap3A_45 : vector<1x1x48x48xf32> to vector<1x48x48xf32>
    %swap3A_47 = vector.shape_cast %broadcast_in_dim3A_40 : vector<1x48x48xf32> to vector<1x1x48x48xf32>
    tpu.vector_store %arg11[%swap3A_41, %swap3A_42, %swap3A_43, %swap3A_44], %swap3A_47 {strides = array<i32>} : memref<1x1x48x48xf32, #tpu.memory_space<vmem>>, vector<1x1x48x48xf32>,
    %get3A_48 = arith.constant 0 : index
    %get3A_49 = arith.constant 0 : index
    %get3A_50 = arith.constant 0 : index
    %get3A_51 = arith.constant 0 : index
    %get3A_52 = vector.load %arg2[%get3A_48, %get3A_49, %get3A_50, %get3A_51] : memref<1x64x96x96xf32, #tpu.memory_space<vmem>>, vector<1x64x96x96xf32>
    %get3A_53 = vector.shape_cast %get3A_52 : vector<1x64x96x96xf32> to vector<64x96x96xf32>
    %dot_general3A_54 = arith.constant dense<0.000000e+00> : vector<64x96x48xf32>
    %dot_general3A_55 = tpu.matmul %get3A_53, %get3A_1, %dot_general3A_54 {dimension_numbers = #tpu.dot_dimension_numbers<[1], [1], [0, 2], [0], [0, 0, 0, 2, 1, 0], [], []>, transpose_lhs_hint = false} : vector<64x96x96xf32>, vector<48x96xf32>, vector<64x96x48xf32> -> vector<64x96x48xf32>
    %dot_general3A_56 = arith.constant dense<0.000000e+00> : vector<64x96x48xf32>
    %dot_general3A_57 = tpu.matmul %get3A_53, %get3A_4, %dot_general3A_56 {dimension_numbers = #tpu.dot_dimension_numbers<[1], [1], [0, 2], [0], [0, 0, 0, 2, 1, 0], [], []>, transpose_lhs_hint = false} : vector<64x96x96xf32>, vector<48x96xf32>, vector<64x96x48xf32> -> vector<64x96x48xf32>
    %max3A_58 = arith.maximumf %dot_general3A_55, %dot_general3A_57 : vector<64x96x48xf32>
    %dot_general3A_59 = arith.constant dense<0.000000e+00> : vector<64x48x48xf32>
    %dot_general3A_60 = tpu.matmul %max3A_58, %get3A_1, %dot_general3A_59 {dimension_numbers = #tpu.dot_dimension_numbers<[1], [1], [0, 2], [0], [0, 0, 0, 2, 1, 0], [], []>, transpose_lhs_hint = false} : vector<64x96x48xf32>, vector<48x96xf32>, vector<64x48x48xf32> -> vector<64x48x48xf32>
    %dot_general3A_61 = arith.constant dense<0.000000e+00> : vector<64x48x48xf32>
    %dot_general3A_62 = tpu.matmul %max3A_58, %get3A_4, %dot_general3A_61 {dimension_numbers = #tpu.dot_dimension_numbers<[1], [1], [0, 2], [0], [0, 0, 0, 2, 1, 0], [], []>, transpose_lhs_hint = false} : vector<64x96x48xf32>, vector<48x96xf32>, vector<64x48x48xf32> -> vector<64x48x48xf32>
    %max3A_63 = arith.maximumf %dot_general3A_60, %dot_general3A_62 : vector<64x48x48xf32>
    %mul3A_64 = arith.mulf %max3A_63, %max3A_63 : vector<64x48x48xf32>
    %reduce_sum3A_65 = arith.constant dense<0.000000e+00> : vector<48x48xf32>
    %reduce_sum3A_66 = vector.multi_reduction <add>, %mul3A_64, %reduce_sum3A_65 [0] : vector<64x48x48xf32> to vector<48x48xf32>
    %broadcast_in_dim3A_67 = vector.shape_cast %reduce_sum3A_66 : vector<48x48xf32> to vector<1x48x48xf32>
    %sqrt3A_68 = math.sqrt %broadcast_in_dim3A_67 : vector<1x48x48xf32>
    %max3A_69 = arith.constant 9.99999996E-13 : f32
    %max3A_70 = vector.broadcast %max3A_69 : f32 to vector<1x48x48xf32>
    %max3A_71 = arith.maximumf %sqrt3A_68, %max3A_70 : vector<1x48x48xf32>
    %div3A_72 = vector.broadcast %max3A_71 : vector<1x48x48xf32> to vector<64x48x48xf32>
    %div3A_73 = arith.divf %max3A_63, %div3A_72 : vector<64x48x48xf32>
    %swap3A_74 = arith.constant 0 : index
    %swap3A_75 = arith.constant 0 : index
    %swap3A_76 = arith.constant 0 : index
    %swap3A_77 = arith.constant 0 : index
    %swap3A_78 = vector.load %arg12[%swap3A_74, %swap3A_75, %swap3A_76, %swap3A_77] : memref<1x64x48x48xf32, #tpu.memory_space<vmem>>, vector<1x64x48x48xf32>
    %swap3A_79 = vector.shape_cast %swap3A_78 : vector<1x64x48x48xf32> to vector<64x48x48xf32>
    %swap3A_80 = vector.shape_cast %max3A_63 : vector<64x48x48xf32> to vector<1x64x48x48xf32>
    tpu.vector_store %arg12[%swap3A_74, %swap3A_75, %swap3A_76, %swap3A_77], %swap3A_80 {strides = array<i32>} : memref<1x64x48x48xf32, #tpu.memory_space<vmem>>, vector<1x64x48x48xf32>,
    %swap3A_81 = arith.constant 0 : index
    %swap3A_82 = arith.constant 0 : index
    %swap3A_83 = arith.constant 0 : index
    %swap3A_84 = arith.constant 0 : index
    %swap3A_85 = vector.load %arg13[%swap3A_81, %swap3A_82, %swap3A_83, %swap3A_84] : memref<1x64x48x48xf32, #tpu.memory_space<vmem>>, vector<1x64x48x48xf32>
    %swap3A_86 = vector.shape_cast %swap3A_85 : vector<1x64x48x48xf32> to vector<64x48x48xf32>
    %swap3A_87 = vector.shape_cast %div3A_73 : vector<64x48x48xf32> to vector<1x64x48x48xf32>
    tpu.vector_store %arg13[%swap3A_81, %swap3A_82, %swap3A_83, %swap3A_84], %swap3A_87 {strides = array<i32>} : memref<1x64x48x48xf32, #tpu.memory_space<vmem>>, vector<1x64x48x48xf32>,
    %mul3A_88 = arith.mulf %div3A_73, %div3A_73 : vector<64x48x48xf32>
    %reduce_sum3A_89 = arith.constant dense<0.000000e+00> : vector<48x48xf32>
    %reduce_sum3A_90 = vector.multi_reduction <add>, %mul3A_88, %reduce_sum3A_89 [0] : vector<64x48x48xf32> to vector<48x48xf32>
    %broadcast_in_dim3A_91 = vector.shape_cast %reduce_sum3A_90 : vector<48x48xf32> to vector<1x48x48xf32>
    %swap3A_92 = arith.constant 0 : index
    %swap3A_93 = arith.constant 0 : index
    %swap3A_94 = arith.constant 0 : index
    %swap3A_95 = arith.constant 0 : index
    %swap3A_96 = vector.load %arg14[%swap3A_92, %swap3A_93, %swap3A_94, %swap3A_95] : memref<1x1x48x48xf32, #tpu.memory_space<vmem>>, vector<1x1x48x48xf32>
    %swap3A_97 = vector.shape_cast %swap3A_96 : vector<1x1x48x48xf32> to vector<1x48x48xf32>
    %swap3A_98 = vector.shape_cast %broadcast_in_dim3A_91 : vector<1x48x48xf32> to vector<1x1x48x48xf32>
    tpu.vector_store %arg14[%swap3A_92, %swap3A_93, %swap3A_94, %swap3A_95], %swap3A_98 {strides = array<i32>} : memref<1x1x48x48xf32, #tpu.memory_space<vmem>>, vector<1x1x48x48xf32>,
    %eq3A = arith.constant 0 : i32
    %eq3A_99 = arith.cmpi eq, %arg0, %eq3A : i32
    %convert_element_type3A = arith.extui %eq3A_99 : i1 to i32
    %cond3A = arith.constant 0 : i32
    %cond3A_100 = arith.cmpi ne, %convert_element_type3A, %cond3A : i32
    scf.if %cond3A_100 {
      %get3A_101 = arith.constant 0 : index
      %get3A_102 = arith.constant 0 : index
      %get3A_103 = vector.load %arg5[%get3A_101, %get3A_102] : memref<64x64xf32, #tpu.memory_space<vmem>>, vector<64x64xf32>
      %dot_general3A_104 = arith.constant dense<0.000000e+00> : vector<64x48x48xf32>
      %dot_general3A_105 = tpu.matmul %get3A_103, %max3A_18, %dot_general3A_104 {dimension_numbers = #tpu.dot_dimension_numbers<[1], [0], [0], [1, 2], [0, 0, 1, 1, 1, 2], [], []>, transpose_lhs_hint = false} : vector<64x64xf32>, vector<64x48x48xf32>, vector<64x48x48xf32> -> vector<64x48x48xf32>
      %get3A_106 = arith.constant 0 : index
      %get3A_107 = arith.constant 0 : index
      %get3A_108 = vector.load %arg8[%get3A_106, %get3A_107] : memref<64x64xf32, #tpu.memory_space<vmem>>, vector<64x64xf32>
      %dot_general3A_109 = arith.constant dense<0.000000e+00> : vector<64x48x48xf32>
      %dot_general3A_110 = tpu.matmul %get3A_108, %max3A_18, %dot_general3A_109 {dimension_numbers = #tpu.dot_dimension_numbers<[1], [0], [0], [1, 2], [0, 0, 1, 1, 1, 2], [], []>, transpose_lhs_hint = false} : vector<64x64xf32>, vector<64x48x48xf32>, vector<64x48x48xf32> -> vector<64x48x48xf32>
      %concatenate3A = tpu.concatenate %dot_general3A_105, %dot_general3A_110 in 0 : vector<64x48x48xf32>, vector<64x48x48xf32> -> vector<128x48x48xf32>
      %swap3A_111 = arith.constant 0 : index
      %swap3A_112 = arith.constant 0 : index
      %swap3A_113 = arith.constant 0 : index
      %swap3A_114 = vector.load %arg15[%swap3A_111, %swap3A_112, %swap3A_113] : memref<128x48x48xf32, #tpu.memory_space<vmem>>, vector<128x48x48xf32>
      tpu.vector_store %arg15[%swap3A_111, %swap3A_112, %swap3A_113], %concatenate3A {strides = array<i32>} : memref<128x48x48xf32, #tpu.memory_space<vmem>>, vector<128x48x48xf32>,
      %get3A_115 = arith.constant 0 : index
      %get3A_116 = arith.constant 0 : index
      %get3A_117 = vector.load %arg6[%get3A_115, %get3A_116] : memref<64x64xf32, #tpu.memory_space<vmem>>, vector<64x64xf32>
      %dot_general3A_118 = arith.constant dense<0.000000e+00> : vector<64x48x48xf32>
      %dot_general3A_119 = tpu.matmul %get3A_117, %max3A_63, %dot_general3A_118 {dimension_numbers = #tpu.dot_dimension_numbers<[1], [0], [0], [1, 2], [0, 0, 1, 1, 1, 2], [], []>, transpose_lhs_hint = false} : vector<64x64xf32>, vector<64x48x48xf32>, vector<64x48x48xf32> -> vector<64x48x48xf32>
      %get3A_120 = arith.constant 0 : index
      %get3A_121 = arith.constant 0 : index
      %get3A_122 = vector.load %arg7[%get3A_120, %get3A_121] : memref<64x64xf32, #tpu.memory_space<vmem>>, vector<64x64xf32>
      %dot_general3A_123 = arith.constant dense<0.000000e+00> : vector<64x48x48xf32>
      %dot_general3A_124 = tpu.matmul %get3A_122, %max3A_63, %dot_general3A_123 {dimension_numbers = #tpu.dot_dimension_numbers<[1], [0], [0], [1, 2], [0, 0, 1, 1, 1, 2], [], []>, transpose_lhs_hint = false} : vector<64x64xf32>, vector<64x48x48xf32>, vector<64x48x48xf32> -> vector<64x48x48xf32>
      %concatenate3A_125 = tpu.concatenate %dot_general3A_119, %dot_general3A_124 in 0 : vector<64x48x48xf32>, vector<64x48x48xf32> -> vector<128x48x48xf32>
      %swap3A_126 = arith.constant 0 : index
      %swap3A_127 = arith.constant 0 : index
      %swap3A_128 = arith.constant 0 : index
      %swap3A_129 = vector.load %arg16[%swap3A_126, %swap3A_127, %swap3A_128] : memref<128x48x48xf32, #tpu.memory_space<vmem>>, vector<128x48x48xf32>
      tpu.vector_store %arg16[%swap3A_126, %swap3A_127, %swap3A_128], %concatenate3A_125 {strides = array<i32>} : memref<128x48x48xf32, #tpu.memory_space<vmem>>, vector<128x48x48xf32>,
    } else {
    }
    return
  }
  func.func @transform_0(%arg0: i32) -> (i32, i32, i32, i32) {
    %c0_i32 = arith.constant 0 : i32
    %c0_i32_0 = arith.constant 0 : i32
    %c0_i32_1 = arith.constant 0 : i32
    %c0_i32_2 = arith.constant 0 : i32
    return %arg0, %c0_i32, %c0_i32_0, %c0_i32_1 : i32, i32, i32, i32
  }
  func.func @transform_1(%arg0: i32) -> (i32, i32, i32, i32) {
    %c0_i32 = arith.constant 0 : i32
    %c0_i32_0 = arith.constant 0 : i32
    %c0_i32_1 = arith.constant 0 : i32
    %c0_i32_2 = arith.constant 0 : i32
    return %arg0, %c0_i32, %c0_i32_0, %c0_i32_1 : i32, i32, i32, i32
  }
  func.func @transform_2(%arg0: i32) -> (i32, i32) {
    %c0_i32 = arith.constant 0 : i32
    %c0_i32_0 = arith.constant 0 : i32
    %c0_i32_1 = arith.constant 0 : i32
    return %c0_i32, %c0_i32_0 : i32, i32
  }
  func.func @transform_3(%arg0: i32) -> (i32, i32) {
    %c0_i32 = arith.constant 0 : i32
    %c0_i32_0 = arith.constant 0 : i32
    %c0_i32_1 = arith.constant 0 : i32
    return %c0_i32, %c0_i32_0 : i32, i32
  }
  func.func @transform_4(%arg0: i32) -> (i32, i32) {
    %c0_i32 = arith.constant 0 : i32
    %c0_i32_0 = arith.constant 0 : i32
    %c0_i32_1 = arith.constant 0 : i32
    return %c0_i32, %c0_i32_0 : i32, i32
  }
  func.func @transform_5(%arg0: i32) -> (i32, i32) {
    %c0_i32 = arith.constant 0 : i32
    %c0_i32_0 = arith.constant 0 : i32
    %c0_i32_1 = arith.constant 0 : i32
    return %c0_i32, %c0_i32_0 : i32, i32
  }
  func.func @transform_6(%arg0: i32) -> (i32, i32) {
    %c0_i32 = arith.constant 0 : i32
    %c0_i32_0 = arith.constant 0 : i32
    %c0_i32_1 = arith.constant 0 : i32
    return %c0_i32, %c0_i32_0 : i32, i32
  }
  func.func @transform_7(%arg0: i32) -> (i32, i32) {
    %c0_i32 = arith.constant 0 : i32
    %c0_i32_0 = arith.constant 0 : i32
    %c0_i32_1 = arith.constant 0 : i32
    return %c0_i32, %c0_i32_0 : i32, i32
  }
  func.func @transform_8(%arg0: i32) -> (i32, i32, i32, i32) {
    %c0_i32 = arith.constant 0 : i32
    %c0_i32_0 = arith.constant 0 : i32
    %c0_i32_1 = arith.constant 0 : i32
    %c0_i32_2 = arith.constant 0 : i32
    return %arg0, %c0_i32, %c0_i32_0, %c0_i32_1 : i32, i32, i32, i32
  }
  func.func @transform_9(%arg0: i32) -> (i32, i32, i32, i32) {
    %c0_i32 = arith.constant 0 : i32
    %c0_i32_0 = arith.constant 0 : i32
    %c0_i32_1 = arith.constant 0 : i32
    %c0_i32_2 = arith.constant 0 : i32
    return %arg0, %c0_i32, %c0_i32_0, %c0_i32_1 : i32, i32, i32, i32
  }
  func.func @transform_10(%arg0: i32) -> (i32, i32, i32, i32) {
    %c0_i32 = arith.constant 0 : i32
    %c0_i32_0 = arith.constant 0 : i32
    %c0_i32_1 = arith.constant 0 : i32
    %c0_i32_2 = arith.constant 0 : i32
    return %arg0, %c0_i32, %c0_i32_0, %c0_i32_1 : i32, i32, i32, i32
  }
  func.func @transform_11(%arg0: i32) -> (i32, i32, i32, i32) {
    %c0_i32 = arith.constant 0 : i32
    %c0_i32_0 = arith.constant 0 : i32
    %c0_i32_1 = arith.constant 0 : i32
    %c0_i32_2 = arith.constant 0 : i32
    return %arg0, %c0_i32, %c0_i32_0, %c0_i32_1 : i32, i32, i32, i32
  }
  func.func @transform_12(%arg0: i32) -> (i32, i32, i32, i32) {
    %c0_i32 = arith.constant 0 : i32
    %c0_i32_0 = arith.constant 0 : i32
    %c0_i32_1 = arith.constant 0 : i32
    %c0_i32_2 = arith.constant 0 : i32
    return %arg0, %c0_i32, %c0_i32_0, %c0_i32_1 : i32, i32, i32, i32
  }
  func.func @transform_13(%arg0: i32) -> (i32, i32, i32, i32) {
    %c0_i32 = arith.constant 0 : i32
    %c0_i32_0 = arith.constant 0 : i32
    %c0_i32_1 = arith.constant 0 : i32
    %c0_i32_2 = arith.constant 0 : i32
    return %arg0, %c0_i32, %c0_i32_0, %c0_i32_1 : i32, i32, i32, i32
  }
  func.func @transform_14(%arg0: i32) -> (i32, i32, i32) {
    %c0_i32 = arith.constant 0 : i32
    %c0_i32_0 = arith.constant 0 : i32
    %c0_i32_1 = arith.constant 0 : i32
    %c0_i32_2 = arith.constant 0 : i32
    return %c0_i32, %c0_i32_0, %c0_i32_1 : i32, i32, i32
  }
  func.func @transform_15(%arg0: i32) -> (i32, i32, i32) {
    %c0_i32 = arith.constant 0 : i32
    %c0_i32_0 = arith.constant 0 : i32
    %c0_i32_1 = arith.constant 0 : i32
    %c0_i32_2 = arith.constant 0 : i32
    return %c0_i32, %c0_i32_0, %c0_i32_1 : i32, i32, i32
  }
}

module attributes {stable_mosaic.version = 14 : i64} {
  func.func @_score_topk_body(%arg0: i32, %arg1: i32, %arg2: memref<1x64x384xf32, #tpu.memory_space<vmem>>, %arg3: memref<1x64x2304xf32, #tpu.memory_space<vmem>>, %arg4: memref<1x1x2304xf32, #tpu.memory_space<vmem>>, %arg5: memref<1x64x384xf32, #tpu.memory_space<vmem>>, %arg6: memref<1x64x2304xf32, #tpu.memory_space<vmem>>, %arg7: memref<1x1x2304xf32, #tpu.memory_space<vmem>>, %arg8: memref<1x384x16xi32, #tpu.memory_space<vmem>>, %arg9: memref<1x384x16xi32, #tpu.memory_space<vmem>>) attributes {dimension_semantics = [#tpu.dimension_semantics<arbitrary>, #tpu.dimension_semantics<arbitrary>], iteration_bounds = array<i64: 4, 6>, scalar_prefetch = 0 : i64, scratch_operands = 0 : i64, tpu.core_type = #tpu.core_type<tc>, window_params = [{transform_indices = @transform_0, window_bounds = array<i64: 1, 64, 384>}, {transform_indices = @transform_1, window_bounds = array<i64: 1, 64, 2304>}, {transform_indices = @transform_2, window_bounds = array<i64: 1, 1, 2304>}, {transform_indices = @transform_3, window_bounds = array<i64: 1, 64, 384>}, {transform_indices = @transform_4, window_bounds = array<i64: 1, 64, 2304>}, {transform_indices = @transform_5, window_bounds = array<i64: 1, 1, 2304>}, {transform_indices = @transform_6, window_bounds = array<i64: 1, 384, 16>}, {transform_indices = @transform_7, window_bounds = array<i64: 1, 384, 16>}]} {
    %get3A = arith.constant 0 : index
    %get3A_0 = arith.constant 0 : index
    %get3A_1 = arith.constant 0 : index
    %get3A_2 = vector.load %arg2[%get3A, %get3A_0, %get3A_1] : memref<1x64x384xf32, #tpu.memory_space<vmem>>, vector<1x64x384xf32>
    %get3A_3 = vector.shape_cast %get3A_2 : vector<1x64x384xf32> to vector<64x384xf32>
    %get3A_4 = arith.constant 0 : index
    %get3A_5 = arith.constant 0 : index
    %get3A_6 = arith.constant 0 : index
    %get3A_7 = vector.load %arg3[%get3A_4, %get3A_5, %get3A_6] : memref<1x64x2304xf32, #tpu.memory_space<vmem>>, vector<1x64x2304xf32>
    %get3A_8 = vector.shape_cast %get3A_7 : vector<1x64x2304xf32> to vector<64x2304xf32>
    %get3A_9 = arith.constant 0 : index
    %get3A_10 = arith.constant 0 : index
    %get3A_11 = arith.constant 0 : index
    %get3A_12 = vector.load %arg4[%get3A_9, %get3A_10, %get3A_11] : memref<1x1x2304xf32, #tpu.memory_space<vmem>>, vector<1x1x2304xf32>
    %get3A_13 = vector.shape_cast %get3A_12 : vector<1x1x2304xf32> to vector<1x2304xf32>
    %dot_general3A = arith.constant dense<0.000000e+00> : vector<384x2304xf32>
    %dot_general3A_14 = tpu.matmul %get3A_3, %get3A_8, %dot_general3A {dimension_numbers = #tpu.dot_dimension_numbers<[0], [0], [1], [1], [0, 1, 1, 1], [], []>, transpose_lhs_hint = false} : vector<64x384xf32>, vector<64x2304xf32>, vector<384x2304xf32> -> vector<384x2304xf32>
    %mul3A = arith.constant 2.000000e+00 : f32
    %mul3A_15 = vector.broadcast %mul3A : f32 to vector<384x2304xf32>
    %mul3A_16 = arith.mulf %mul3A_15, %dot_general3A_14 : vector<384x2304xf32>
    %sub3A = vector.broadcast %get3A_13 : vector<1x2304xf32> to vector<384x2304xf32>
    %sub3A_17 = arith.subf %mul3A_16, %sub3A : vector<384x2304xf32>
    %bitcast_convert_type3A = tpu.bitcast %sub3A_17 : vector<384x2304xf32> -> vector<384x2304xi32>
    %lt3A = arith.constant 0 : i32
    %lt3A_18 = vector.broadcast %lt3A : i32 to vector<384x2304xi32>
    %lt3A_19 = arith.cmpi slt, %bitcast_convert_type3A, %lt3A_18 : vector<384x2304xi32>
    %xor3A = arith.constant 2147483647 : i32
    %xor3A_20 = vector.broadcast %xor3A : i32 to vector<384x2304xi32>
    %xor3A_21 = arith.xori %bitcast_convert_type3A, %xor3A_20 : vector<384x2304xi32>
    %select_n3A = arith.select %lt3A_19, %xor3A_21, %bitcast_convert_type3A : vector<384x2304xi1>, vector<384x2304xi32>
    %shift_right_arithmetic3A = arith.constant 12 : i32
    %shift_right_arithmetic3A_22 = vector.broadcast %shift_right_arithmetic3A : i32 to vector<384x2304xi32>
    %shift_right_arithmetic3A_23 = arith.shrsi %select_n3A, %shift_right_arithmetic3A_22 : vector<384x2304xi32>
    %iota3A = tpu.iota {dimensions = array<i32: 1>} : vector<384x2304xi32>
    %mul3A_24 = arith.constant 4096 : i32
    %mul3A_25 = vector.broadcast %mul3A_24 : i32 to vector<384x2304xi32>
    %mul3A_26 = arith.muli %shift_right_arithmetic3A_23, %mul3A_25 : vector<384x2304xi32>
    %sub3A_27 = arith.constant 4095 : i32
    %sub3A_28 = vector.broadcast %sub3A_27 : i32 to vector<384x2304xi32>
    %sub3A_29 = arith.subi %sub3A_28, %iota3A : vector<384x2304xi32>
    %add3A = arith.addi %mul3A_26, %sub3A_29 : vector<384x2304xi32>
    %reduce_max3A = arith.constant dense<-2147483648> : vector<384xi32>
    %reduce_max3A_30 = vector.multi_reduction <maxsi>, %add3A, %reduce_max3A [1] : vector<384x2304xi32> to vector<384xi32>
    %broadcast_in_dim3A = vector.shape_cast %reduce_max3A_30 : vector<384xi32> to vector<384x1xi32>
    %and3A = arith.constant 4095 : i32
    %and3A_31 = vector.broadcast %and3A : i32 to vector<384x1xi32>
    %and3A_32 = arith.andi %broadcast_in_dim3A, %and3A_31 : vector<384x1xi32>
    %sub3A_33 = arith.constant 4095 : i32
    %sub3A_34 = vector.broadcast %sub3A_33 : i32 to vector<384x1xi32>
    %sub3A_35 = arith.subi %sub3A_34, %and3A_32 : vector<384x1xi32>
    %eq3A = vector.broadcast %broadcast_in_dim3A : vector<384x1xi32> to vector<384x2304xi32>
    %eq3A_36 = arith.cmpi eq, %add3A, %eq3A : vector<384x2304xi32>
    %jit3A = arith.constant -2147483648 : i32
    %broadcast_in_dim3A_37 = vector.broadcast %jit3A : i32 to vector<384x2304xi32>
    %select_n3A_38 = arith.select %eq3A_36, %broadcast_in_dim3A_37, %add3A : vector<384x2304xi1>, vector<384x2304xi32>
    %reduce_max3A_39 = arith.constant dense<-2147483648> : vector<384xi32>
    %reduce_max3A_40 = vector.multi_reduction <maxsi>, %select_n3A_38, %reduce_max3A_39 [1] : vector<384x2304xi32> to vector<384xi32>
    %broadcast_in_dim3A_41 = vector.shape_cast %reduce_max3A_40 : vector<384xi32> to vector<384x1xi32>
    %and3A_42 = arith.constant 4095 : i32
    %and3A_43 = vector.broadcast %and3A_42 : i32 to vector<384x1xi32>
    %and3A_44 = arith.andi %broadcast_in_dim3A_41, %and3A_43 : vector<384x1xi32>
    %sub3A_45 = arith.constant 4095 : i32
    %sub3A_46 = vector.broadcast %sub3A_45 : i32 to vector<384x1xi32>
    %sub3A_47 = arith.subi %sub3A_46, %and3A_44 : vector<384x1xi32>
    %eq3A_48 = vector.broadcast %broadcast_in_dim3A_41 : vector<384x1xi32> to vector<384x2304xi32>
    %eq3A_49 = arith.cmpi eq, %select_n3A_38, %eq3A_48 : vector<384x2304xi32>
    %jit3A_50 = arith.constant -2147483648 : i32
    %broadcast_in_dim3A_51 = vector.broadcast %jit3A_50 : i32 to vector<384x2304xi32>
    %select_n3A_52 = arith.select %eq3A_49, %broadcast_in_dim3A_51, %select_n3A_38 : vector<384x2304xi1>, vector<384x2304xi32>
    %reduce_max3A_53 = arith.constant dense<-2147483648> : vector<384xi32>
    %reduce_max3A_54 = vector.multi_reduction <maxsi>, %select_n3A_52, %reduce_max3A_53 [1] : vector<384x2304xi32> to vector<384xi32>
    %broadcast_in_dim3A_55 = vector.shape_cast %reduce_max3A_54 : vector<384xi32> to vector<384x1xi32>
    %and3A_56 = arith.constant 4095 : i32
    %and3A_57 = vector.broadcast %and3A_56 : i32 to vector<384x1xi32>
    %and3A_58 = arith.andi %broadcast_in_dim3A_55, %and3A_57 : vector<384x1xi32>
    %sub3A_59 = arith.constant 4095 : i32
    %sub3A_60 = vector.broadcast %sub3A_59 : i32 to vector<384x1xi32>
    %sub3A_61 = arith.subi %sub3A_60, %and3A_58 : vector<384x1xi32>
    %eq3A_62 = vector.broadcast %broadcast_in_dim3A_55 : vector<384x1xi32> to vector<384x2304xi32>
    %eq3A_63 = arith.cmpi eq, %select_n3A_52, %eq3A_62 : vector<384x2304xi32>
    %jit3A_64 = arith.constant -2147483648 : i32
    %broadcast_in_dim3A_65 = vector.broadcast %jit3A_64 : i32 to vector<384x2304xi32>
    %select_n3A_66 = arith.select %eq3A_63, %broadcast_in_dim3A_65, %select_n3A_52 : vector<384x2304xi1>, vector<384x2304xi32>
    %reduce_max3A_67 = arith.constant dense<-2147483648> : vector<384xi32>
    %reduce_max3A_68 = vector.multi_reduction <maxsi>, %select_n3A_66, %reduce_max3A_67 [1] : vector<384x2304xi32> to vector<384xi32>
    %broadcast_in_dim3A_69 = vector.shape_cast %reduce_max3A_68 : vector<384xi32> to vector<384x1xi32>
    %and3A_70 = arith.constant 4095 : i32
    %and3A_71 = vector.broadcast %and3A_70 : i32 to vector<384x1xi32>
    %and3A_72 = arith.andi %broadcast_in_dim3A_69, %and3A_71 : vector<384x1xi32>
    %sub3A_73 = arith.constant 4095 : i32
    %sub3A_74 = vector.broadcast %sub3A_73 : i32 to vector<384x1xi32>
    %sub3A_75 = arith.subi %sub3A_74, %and3A_72 : vector<384x1xi32>
    %eq3A_76 = vector.broadcast %broadcast_in_dim3A_69 : vector<384x1xi32> to vector<384x2304xi32>
    %eq3A_77 = arith.cmpi eq, %select_n3A_66, %eq3A_76 : vector<384x2304xi32>
    %jit3A_78 = arith.constant -2147483648 : i32
    %broadcast_in_dim3A_79 = vector.broadcast %jit3A_78 : i32 to vector<384x2304xi32>
    %select_n3A_80 = arith.select %eq3A_77, %broadcast_in_dim3A_79, %select_n3A_66 : vector<384x2304xi1>, vector<384x2304xi32>
    %reduce_max3A_81 = arith.constant dense<-2147483648> : vector<384xi32>
    %reduce_max3A_82 = vector.multi_reduction <maxsi>, %select_n3A_80, %reduce_max3A_81 [1] : vector<384x2304xi32> to vector<384xi32>
    %broadcast_in_dim3A_83 = vector.shape_cast %reduce_max3A_82 : vector<384xi32> to vector<384x1xi32>
    %and3A_84 = arith.constant 4095 : i32
    %and3A_85 = vector.broadcast %and3A_84 : i32 to vector<384x1xi32>
    %and3A_86 = arith.andi %broadcast_in_dim3A_83, %and3A_85 : vector<384x1xi32>
    %sub3A_87 = arith.constant 4095 : i32
    %sub3A_88 = vector.broadcast %sub3A_87 : i32 to vector<384x1xi32>
    %sub3A_89 = arith.subi %sub3A_88, %and3A_86 : vector<384x1xi32>
    %eq3A_90 = vector.broadcast %broadcast_in_dim3A_83 : vector<384x1xi32> to vector<384x2304xi32>
    %eq3A_91 = arith.cmpi eq, %select_n3A_80, %eq3A_90 : vector<384x2304xi32>
    %jit3A_92 = arith.constant -2147483648 : i32
    %broadcast_in_dim3A_93 = vector.broadcast %jit3A_92 : i32 to vector<384x2304xi32>
    %select_n3A_94 = arith.select %eq3A_91, %broadcast_in_dim3A_93, %select_n3A_80 : vector<384x2304xi1>, vector<384x2304xi32>
    %reduce_max3A_95 = arith.constant dense<-2147483648> : vector<384xi32>
    %reduce_max3A_96 = vector.multi_reduction <maxsi>, %select_n3A_94, %reduce_max3A_95 [1] : vector<384x2304xi32> to vector<384xi32>
    %broadcast_in_dim3A_97 = vector.shape_cast %reduce_max3A_96 : vector<384xi32> to vector<384x1xi32>
    %and3A_98 = arith.constant 4095 : i32
    %and3A_99 = vector.broadcast %and3A_98 : i32 to vector<384x1xi32>
    %and3A_100 = arith.andi %broadcast_in_dim3A_97, %and3A_99 : vector<384x1xi32>
    %sub3A_101 = arith.constant 4095 : i32
    %sub3A_102 = vector.broadcast %sub3A_101 : i32 to vector<384x1xi32>
    %sub3A_103 = arith.subi %sub3A_102, %and3A_100 : vector<384x1xi32>
    %eq3A_104 = vector.broadcast %broadcast_in_dim3A_97 : vector<384x1xi32> to vector<384x2304xi32>
    %eq3A_105 = arith.cmpi eq, %select_n3A_94, %eq3A_104 : vector<384x2304xi32>
    %jit3A_106 = arith.constant -2147483648 : i32
    %broadcast_in_dim3A_107 = vector.broadcast %jit3A_106 : i32 to vector<384x2304xi32>
    %select_n3A_108 = arith.select %eq3A_105, %broadcast_in_dim3A_107, %select_n3A_94 : vector<384x2304xi1>, vector<384x2304xi32>
    %reduce_max3A_109 = arith.constant dense<-2147483648> : vector<384xi32>
    %reduce_max3A_110 = vector.multi_reduction <maxsi>, %select_n3A_108, %reduce_max3A_109 [1] : vector<384x2304xi32> to vector<384xi32>
    %broadcast_in_dim3A_111 = vector.shape_cast %reduce_max3A_110 : vector<384xi32> to vector<384x1xi32>
    %and3A_112 = arith.constant 4095 : i32
    %and3A_113 = vector.broadcast %and3A_112 : i32 to vector<384x1xi32>
    %and3A_114 = arith.andi %broadcast_in_dim3A_111, %and3A_113 : vector<384x1xi32>
    %sub3A_115 = arith.constant 4095 : i32
    %sub3A_116 = vector.broadcast %sub3A_115 : i32 to vector<384x1xi32>
    %sub3A_117 = arith.subi %sub3A_116, %and3A_114 : vector<384x1xi32>
    %eq3A_118 = vector.broadcast %broadcast_in_dim3A_111 : vector<384x1xi32> to vector<384x2304xi32>
    %eq3A_119 = arith.cmpi eq, %select_n3A_108, %eq3A_118 : vector<384x2304xi32>
    %jit3A_120 = arith.constant -2147483648 : i32
    %broadcast_in_dim3A_121 = vector.broadcast %jit3A_120 : i32 to vector<384x2304xi32>
    %select_n3A_122 = arith.select %eq3A_119, %broadcast_in_dim3A_121, %select_n3A_108 : vector<384x2304xi1>, vector<384x2304xi32>
    %reduce_max3A_123 = arith.constant dense<-2147483648> : vector<384xi32>
    %reduce_max3A_124 = vector.multi_reduction <maxsi>, %select_n3A_122, %reduce_max3A_123 [1] : vector<384x2304xi32> to vector<384xi32>
    %broadcast_in_dim3A_125 = vector.shape_cast %reduce_max3A_124 : vector<384xi32> to vector<384x1xi32>
    %and3A_126 = arith.constant 4095 : i32
    %and3A_127 = vector.broadcast %and3A_126 : i32 to vector<384x1xi32>
    %and3A_128 = arith.andi %broadcast_in_dim3A_125, %and3A_127 : vector<384x1xi32>
    %sub3A_129 = arith.constant 4095 : i32
    %sub3A_130 = vector.broadcast %sub3A_129 : i32 to vector<384x1xi32>
    %sub3A_131 = arith.subi %sub3A_130, %and3A_128 : vector<384x1xi32>
    %eq3A_132 = vector.broadcast %broadcast_in_dim3A_125 : vector<384x1xi32> to vector<384x2304xi32>
    %eq3A_133 = arith.cmpi eq, %select_n3A_122, %eq3A_132 : vector<384x2304xi32>
    %jit3A_134 = arith.constant -2147483648 : i32
    %broadcast_in_dim3A_135 = vector.broadcast %jit3A_134 : i32 to vector<384x2304xi32>
    %select_n3A_136 = arith.select %eq3A_133, %broadcast_in_dim3A_135, %select_n3A_122 : vector<384x2304xi1>, vector<384x2304xi32>
    %reduce_max3A_137 = arith.constant dense<-2147483648> : vector<384xi32>
    %reduce_max3A_138 = vector.multi_reduction <maxsi>, %select_n3A_136, %reduce_max3A_137 [1] : vector<384x2304xi32> to vector<384xi32>
    %broadcast_in_dim3A_139 = vector.shape_cast %reduce_max3A_138 : vector<384xi32> to vector<384x1xi32>
    %and3A_140 = arith.constant 4095 : i32
    %and3A_141 = vector.broadcast %and3A_140 : i32 to vector<384x1xi32>
    %and3A_142 = arith.andi %broadcast_in_dim3A_139, %and3A_141 : vector<384x1xi32>
    %sub3A_143 = arith.constant 4095 : i32
    %sub3A_144 = vector.broadcast %sub3A_143 : i32 to vector<384x1xi32>
    %sub3A_145 = arith.subi %sub3A_144, %and3A_142 : vector<384x1xi32>
    %eq3A_146 = vector.broadcast %broadcast_in_dim3A_139 : vector<384x1xi32> to vector<384x2304xi32>
    %eq3A_147 = arith.cmpi eq, %select_n3A_136, %eq3A_146 : vector<384x2304xi32>
    %jit3A_148 = arith.constant -2147483648 : i32
    %broadcast_in_dim3A_149 = vector.broadcast %jit3A_148 : i32 to vector<384x2304xi32>
    %select_n3A_150 = arith.select %eq3A_147, %broadcast_in_dim3A_149, %select_n3A_136 : vector<384x2304xi1>, vector<384x2304xi32>
    %reduce_max3A_151 = arith.constant dense<-2147483648> : vector<384xi32>
    %reduce_max3A_152 = vector.multi_reduction <maxsi>, %select_n3A_150, %reduce_max3A_151 [1] : vector<384x2304xi32> to vector<384xi32>
    %broadcast_in_dim3A_153 = vector.shape_cast %reduce_max3A_152 : vector<384xi32> to vector<384x1xi32>
    %and3A_154 = arith.constant 4095 : i32
    %and3A_155 = vector.broadcast %and3A_154 : i32 to vector<384x1xi32>
    %and3A_156 = arith.andi %broadcast_in_dim3A_153, %and3A_155 : vector<384x1xi32>
    %sub3A_157 = arith.constant 4095 : i32
    %sub3A_158 = vector.broadcast %sub3A_157 : i32 to vector<384x1xi32>
    %sub3A_159 = arith.subi %sub3A_158, %and3A_156 : vector<384x1xi32>
    %eq3A_160 = vector.broadcast %broadcast_in_dim3A_153 : vector<384x1xi32> to vector<384x2304xi32>
    %eq3A_161 = arith.cmpi eq, %select_n3A_150, %eq3A_160 : vector<384x2304xi32>
    %jit3A_162 = arith.constant -2147483648 : i32
    %broadcast_in_dim3A_163 = vector.broadcast %jit3A_162 : i32 to vector<384x2304xi32>
    %select_n3A_164 = arith.select %eq3A_161, %broadcast_in_dim3A_163, %select_n3A_150 : vector<384x2304xi1>, vector<384x2304xi32>
    %reduce_max3A_165 = arith.constant dense<-2147483648> : vector<384xi32>
    %reduce_max3A_166 = vector.multi_reduction <maxsi>, %select_n3A_164, %reduce_max3A_165 [1] : vector<384x2304xi32> to vector<384xi32>
    %broadcast_in_dim3A_167 = vector.shape_cast %reduce_max3A_166 : vector<384xi32> to vector<384x1xi32>
    %and3A_168 = arith.constant 4095 : i32
    %and3A_169 = vector.broadcast %and3A_168 : i32 to vector<384x1xi32>
    %and3A_170 = arith.andi %broadcast_in_dim3A_167, %and3A_169 : vector<384x1xi32>
    %sub3A_171 = arith.constant 4095 : i32
    %sub3A_172 = vector.broadcast %sub3A_171 : i32 to vector<384x1xi32>
    %sub3A_173 = arith.subi %sub3A_172, %and3A_170 : vector<384x1xi32>
    %eq3A_174 = vector.broadcast %broadcast_in_dim3A_167 : vector<384x1xi32> to vector<384x2304xi32>
    %eq3A_175 = arith.cmpi eq, %select_n3A_164, %eq3A_174 : vector<384x2304xi32>
    %jit3A_176 = arith.constant -2147483648 : i32
    %broadcast_in_dim3A_177 = vector.broadcast %jit3A_176 : i32 to vector<384x2304xi32>
    %select_n3A_178 = arith.select %eq3A_175, %broadcast_in_dim3A_177, %select_n3A_164 : vector<384x2304xi1>, vector<384x2304xi32>
    %reduce_max3A_179 = arith.constant dense<-2147483648> : vector<384xi32>
    %reduce_max3A_180 = vector.multi_reduction <maxsi>, %select_n3A_178, %reduce_max3A_179 [1] : vector<384x2304xi32> to vector<384xi32>
    %broadcast_in_dim3A_181 = vector.shape_cast %reduce_max3A_180 : vector<384xi32> to vector<384x1xi32>
    %and3A_182 = arith.constant 4095 : i32
    %and3A_183 = vector.broadcast %and3A_182 : i32 to vector<384x1xi32>
    %and3A_184 = arith.andi %broadcast_in_dim3A_181, %and3A_183 : vector<384x1xi32>
    %sub3A_185 = arith.constant 4095 : i32
    %sub3A_186 = vector.broadcast %sub3A_185 : i32 to vector<384x1xi32>
    %sub3A_187 = arith.subi %sub3A_186, %and3A_184 : vector<384x1xi32>
    %eq3A_188 = vector.broadcast %broadcast_in_dim3A_181 : vector<384x1xi32> to vector<384x2304xi32>
    %eq3A_189 = arith.cmpi eq, %select_n3A_178, %eq3A_188 : vector<384x2304xi32>
    %jit3A_190 = arith.constant -2147483648 : i32
    %broadcast_in_dim3A_191 = vector.broadcast %jit3A_190 : i32 to vector<384x2304xi32>
    %select_n3A_192 = arith.select %eq3A_189, %broadcast_in_dim3A_191, %select_n3A_178 : vector<384x2304xi1>, vector<384x2304xi32>
    %reduce_max3A_193 = arith.constant dense<-2147483648> : vector<384xi32>
    %reduce_max3A_194 = vector.multi_reduction <maxsi>, %select_n3A_192, %reduce_max3A_193 [1] : vector<384x2304xi32> to vector<384xi32>
    %broadcast_in_dim3A_195 = vector.shape_cast %reduce_max3A_194 : vector<384xi32> to vector<384x1xi32>
    %and3A_196 = arith.constant 4095 : i32
    %and3A_197 = vector.broadcast %and3A_196 : i32 to vector<384x1xi32>
    %and3A_198 = arith.andi %broadcast_in_dim3A_195, %and3A_197 : vector<384x1xi32>
    %sub3A_199 = arith.constant 4095 : i32
    %sub3A_200 = vector.broadcast %sub3A_199 : i32 to vector<384x1xi32>
    %sub3A_201 = arith.subi %sub3A_200, %and3A_198 : vector<384x1xi32>
    %eq3A_202 = vector.broadcast %broadcast_in_dim3A_195 : vector<384x1xi32> to vector<384x2304xi32>
    %eq3A_203 = arith.cmpi eq, %select_n3A_192, %eq3A_202 : vector<384x2304xi32>
    %jit3A_204 = arith.constant -2147483648 : i32
    %broadcast_in_dim3A_205 = vector.broadcast %jit3A_204 : i32 to vector<384x2304xi32>
    %select_n3A_206 = arith.select %eq3A_203, %broadcast_in_dim3A_205, %select_n3A_192 : vector<384x2304xi1>, vector<384x2304xi32>
    %reduce_max3A_207 = arith.constant dense<-2147483648> : vector<384xi32>
    %reduce_max3A_208 = vector.multi_reduction <maxsi>, %select_n3A_206, %reduce_max3A_207 [1] : vector<384x2304xi32> to vector<384xi32>
    %broadcast_in_dim3A_209 = vector.shape_cast %reduce_max3A_208 : vector<384xi32> to vector<384x1xi32>
    %and3A_210 = arith.constant 4095 : i32
    %and3A_211 = vector.broadcast %and3A_210 : i32 to vector<384x1xi32>
    %and3A_212 = arith.andi %broadcast_in_dim3A_209, %and3A_211 : vector<384x1xi32>
    %sub3A_213 = arith.constant 4095 : i32
    %sub3A_214 = vector.broadcast %sub3A_213 : i32 to vector<384x1xi32>
    %sub3A_215 = arith.subi %sub3A_214, %and3A_212 : vector<384x1xi32>
    %eq3A_216 = vector.broadcast %broadcast_in_dim3A_209 : vector<384x1xi32> to vector<384x2304xi32>
    %eq3A_217 = arith.cmpi eq, %select_n3A_206, %eq3A_216 : vector<384x2304xi32>
    %jit3A_218 = arith.constant -2147483648 : i32
    %broadcast_in_dim3A_219 = vector.broadcast %jit3A_218 : i32 to vector<384x2304xi32>
    %select_n3A_220 = arith.select %eq3A_217, %broadcast_in_dim3A_219, %select_n3A_206 : vector<384x2304xi1>, vector<384x2304xi32>
    %reduce_max3A_221 = arith.constant dense<-2147483648> : vector<384xi32>
    %reduce_max3A_222 = vector.multi_reduction <maxsi>, %select_n3A_220, %reduce_max3A_221 [1] : vector<384x2304xi32> to vector<384xi32>
    %broadcast_in_dim3A_223 = vector.shape_cast %reduce_max3A_222 : vector<384xi32> to vector<384x1xi32>
    %and3A_224 = arith.constant 4095 : i32
    %and3A_225 = vector.broadcast %and3A_224 : i32 to vector<384x1xi32>
    %and3A_226 = arith.andi %broadcast_in_dim3A_223, %and3A_225 : vector<384x1xi32>
    %sub3A_227 = arith.constant 4095 : i32
    %sub3A_228 = vector.broadcast %sub3A_227 : i32 to vector<384x1xi32>
    %sub3A_229 = arith.subi %sub3A_228, %and3A_226 : vector<384x1xi32>
    %eq3A_230 = vector.broadcast %broadcast_in_dim3A_223 : vector<384x1xi32> to vector<384x2304xi32>
    %eq3A_231 = arith.cmpi eq, %select_n3A_220, %eq3A_230 : vector<384x2304xi32>
    %jit3A_232 = arith.constant -2147483648 : i32
    %broadcast_in_dim3A_233 = vector.broadcast %jit3A_232 : i32 to vector<384x2304xi32>
    %select_n3A_234 = arith.select %eq3A_231, %broadcast_in_dim3A_233, %select_n3A_220 : vector<384x2304xi1>, vector<384x2304xi32>
    %reduce_max3A_235 = arith.constant dense<-2147483648> : vector<384xi32>
    %reduce_max3A_236 = vector.multi_reduction <maxsi>, %select_n3A_234, %reduce_max3A_235 [1] : vector<384x2304xi32> to vector<384xi32>
    %broadcast_in_dim3A_237 = vector.shape_cast %reduce_max3A_236 : vector<384xi32> to vector<384x1xi32>
    %and3A_238 = arith.constant 4095 : i32
    %and3A_239 = vector.broadcast %and3A_238 : i32 to vector<384x1xi32>
    %and3A_240 = arith.andi %broadcast_in_dim3A_237, %and3A_239 : vector<384x1xi32>
    %sub3A_241 = arith.constant 4095 : i32
    %sub3A_242 = vector.broadcast %sub3A_241 : i32 to vector<384x1xi32>
    %sub3A_243 = arith.subi %sub3A_242, %and3A_240 : vector<384x1xi32>
    %concatenate3A = tpu.concatenate %sub3A_35, %sub3A_47, %sub3A_61, %sub3A_75, %sub3A_89, %sub3A_103, %sub3A_117, %sub3A_131, %sub3A_145, %sub3A_159, %sub3A_173, %sub3A_187, %sub3A_201, %sub3A_215, %sub3A_229, %sub3A_243 in 1 : vector<384x1xi32>, vector<384x1xi32>, vector<384x1xi32>, vector<384x1xi32>, vector<384x1xi32>, vector<384x1xi32>, vector<384x1xi32>, vector<384x1xi32>, vector<384x1xi32>, vector<384x1xi32>, vector<384x1xi32>, vector<384x1xi32>, vector<384x1xi32>, vector<384x1xi32>, vector<384x1xi32>, vector<384x1xi32> -> vector<384x16xi32>
    %swap3A = arith.constant 0 : index
    %swap3A_244 = arith.constant 0 : index
    %swap3A_245 = arith.constant 0 : index
    %swap3A_246 = vector.load %arg8[%swap3A, %swap3A_244, %swap3A_245] : memref<1x384x16xi32, #tpu.memory_space<vmem>>, vector<1x384x16xi32>
    %swap3A_247 = vector.shape_cast %swap3A_246 : vector<1x384x16xi32> to vector<384x16xi32>
    %swap3A_248 = vector.shape_cast %concatenate3A : vector<384x16xi32> to vector<1x384x16xi32>
    tpu.vector_store %arg8[%swap3A, %swap3A_244, %swap3A_245], %swap3A_248 {strides = array<i32>} : memref<1x384x16xi32, #tpu.memory_space<vmem>>, vector<1x384x16xi32>,
    %get3A_249 = arith.constant 0 : index
    %get3A_250 = arith.constant 0 : index
    %get3A_251 = arith.constant 0 : index
    %get3A_252 = vector.load %arg5[%get3A_249, %get3A_250, %get3A_251] : memref<1x64x384xf32, #tpu.memory_space<vmem>>, vector<1x64x384xf32>
    %get3A_253 = vector.shape_cast %get3A_252 : vector<1x64x384xf32> to vector<64x384xf32>
    %get3A_254 = arith.constant 0 : index
    %get3A_255 = arith.constant 0 : index
    %get3A_256 = arith.constant 0 : index
    %get3A_257 = vector.load %arg6[%get3A_254, %get3A_255, %get3A_256] : memref<1x64x2304xf32, #tpu.memory_space<vmem>>, vector<1x64x2304xf32>
    %get3A_258 = vector.shape_cast %get3A_257 : vector<1x64x2304xf32> to vector<64x2304xf32>
    %get3A_259 = arith.constant 0 : index
    %get3A_260 = arith.constant 0 : index
    %get3A_261 = arith.constant 0 : index
    %get3A_262 = vector.load %arg7[%get3A_259, %get3A_260, %get3A_261] : memref<1x1x2304xf32, #tpu.memory_space<vmem>>, vector<1x1x2304xf32>
    %get3A_263 = vector.shape_cast %get3A_262 : vector<1x1x2304xf32> to vector<1x2304xf32>
    %dot_general3A_264 = arith.constant dense<0.000000e+00> : vector<384x2304xf32>
    %dot_general3A_265 = tpu.matmul %get3A_253, %get3A_258, %dot_general3A_264 {dimension_numbers = #tpu.dot_dimension_numbers<[0], [0], [1], [1], [0, 1, 1, 1], [], []>, transpose_lhs_hint = false} : vector<64x384xf32>, vector<64x2304xf32>, vector<384x2304xf32> -> vector<384x2304xf32>
    %mul3A_266 = arith.constant 2.000000e+00 : f32
    %mul3A_267 = vector.broadcast %mul3A_266 : f32 to vector<384x2304xf32>
    %mul3A_268 = arith.mulf %mul3A_267, %dot_general3A_265 : vector<384x2304xf32>
    %sub3A_269 = vector.broadcast %get3A_263 : vector<1x2304xf32> to vector<384x2304xf32>
    %sub3A_270 = arith.subf %mul3A_268, %sub3A_269 : vector<384x2304xf32>
    %bitcast_convert_type3A_271 = tpu.bitcast %sub3A_270 : vector<384x2304xf32> -> vector<384x2304xi32>
    %lt3A_272 = arith.constant 0 : i32
    %lt3A_273 = vector.broadcast %lt3A_272 : i32 to vector<384x2304xi32>
    %lt3A_274 = arith.cmpi slt, %bitcast_convert_type3A_271, %lt3A_273 : vector<384x2304xi32>
    %xor3A_275 = arith.constant 2147483647 : i32
    %xor3A_276 = vector.broadcast %xor3A_275 : i32 to vector<384x2304xi32>
    %xor3A_277 = arith.xori %bitcast_convert_type3A_271, %xor3A_276 : vector<384x2304xi32>
    %select_n3A_278 = arith.select %lt3A_274, %xor3A_277, %bitcast_convert_type3A_271 : vector<384x2304xi1>, vector<384x2304xi32>
    %shift_right_arithmetic3A_279 = arith.constant 12 : i32
    %shift_right_arithmetic3A_280 = vector.broadcast %shift_right_arithmetic3A_279 : i32 to vector<384x2304xi32>
    %shift_right_arithmetic3A_281 = arith.shrsi %select_n3A_278, %shift_right_arithmetic3A_280 : vector<384x2304xi32>
    %iota3A_282 = tpu.iota {dimensions = array<i32: 1>} : vector<384x2304xi32>
    %mul3A_283 = arith.constant 4096 : i32
    %mul3A_284 = vector.broadcast %mul3A_283 : i32 to vector<384x2304xi32>
    %mul3A_285 = arith.muli %shift_right_arithmetic3A_281, %mul3A_284 : vector<384x2304xi32>
    %sub3A_286 = arith.constant 4095 : i32
    %sub3A_287 = vector.broadcast %sub3A_286 : i32 to vector<384x2304xi32>
    %sub3A_288 = arith.subi %sub3A_287, %iota3A_282 : vector<384x2304xi32>
    %add3A_289 = arith.addi %mul3A_285, %sub3A_288 : vector<384x2304xi32>
    %reduce_max3A_290 = arith.constant dense<-2147483648> : vector<384xi32>
    %reduce_max3A_291 = vector.multi_reduction <maxsi>, %add3A_289, %reduce_max3A_290 [1] : vector<384x2304xi32> to vector<384xi32>
    %broadcast_in_dim3A_292 = vector.shape_cast %reduce_max3A_291 : vector<384xi32> to vector<384x1xi32>
    %and3A_293 = arith.constant 4095 : i32
    %and3A_294 = vector.broadcast %and3A_293 : i32 to vector<384x1xi32>
    %and3A_295 = arith.andi %broadcast_in_dim3A_292, %and3A_294 : vector<384x1xi32>
    %sub3A_296 = arith.constant 4095 : i32
    %sub3A_297 = vector.broadcast %sub3A_296 : i32 to vector<384x1xi32>
    %sub3A_298 = arith.subi %sub3A_297, %and3A_295 : vector<384x1xi32>
    %eq3A_299 = vector.broadcast %broadcast_in_dim3A_292 : vector<384x1xi32> to vector<384x2304xi32>
    %eq3A_300 = arith.cmpi eq, %add3A_289, %eq3A_299 : vector<384x2304xi32>
    %jit3A_301 = arith.constant -2147483648 : i32
    %broadcast_in_dim3A_302 = vector.broadcast %jit3A_301 : i32 to vector<384x2304xi32>
    %select_n3A_303 = arith.select %eq3A_300, %broadcast_in_dim3A_302, %add3A_289 : vector<384x2304xi1>, vector<384x2304xi32>
    %reduce_max3A_304 = arith.constant dense<-2147483648> : vector<384xi32>
    %reduce_max3A_305 = vector.multi_reduction <maxsi>, %select_n3A_303, %reduce_max3A_304 [1] : vector<384x2304xi32> to vector<384xi32>
    %broadcast_in_dim3A_306 = vector.shape_cast %reduce_max3A_305 : vector<384xi32> to vector<384x1xi32>
    %and3A_307 = arith.constant 4095 : i32
    %and3A_308 = vector.broadcast %and3A_307 : i32 to vector<384x1xi32>
    %and3A_309 = arith.andi %broadcast_in_dim3A_306, %and3A_308 : vector<384x1xi32>
    %sub3A_310 = arith.constant 4095 : i32
    %sub3A_311 = vector.broadcast %sub3A_310 : i32 to vector<384x1xi32>
    %sub3A_312 = arith.subi %sub3A_311, %and3A_309 : vector<384x1xi32>
    %eq3A_313 = vector.broadcast %broadcast_in_dim3A_306 : vector<384x1xi32> to vector<384x2304xi32>
    %eq3A_314 = arith.cmpi eq, %select_n3A_303, %eq3A_313 : vector<384x2304xi32>
    %jit3A_315 = arith.constant -2147483648 : i32
    %broadcast_in_dim3A_316 = vector.broadcast %jit3A_315 : i32 to vector<384x2304xi32>
    %select_n3A_317 = arith.select %eq3A_314, %broadcast_in_dim3A_316, %select_n3A_303 : vector<384x2304xi1>, vector<384x2304xi32>
    %reduce_max3A_318 = arith.constant dense<-2147483648> : vector<384xi32>
    %reduce_max3A_319 = vector.multi_reduction <maxsi>, %select_n3A_317, %reduce_max3A_318 [1] : vector<384x2304xi32> to vector<384xi32>
    %broadcast_in_dim3A_320 = vector.shape_cast %reduce_max3A_319 : vector<384xi32> to vector<384x1xi32>
    %and3A_321 = arith.constant 4095 : i32
    %and3A_322 = vector.broadcast %and3A_321 : i32 to vector<384x1xi32>
    %and3A_323 = arith.andi %broadcast_in_dim3A_320, %and3A_322 : vector<384x1xi32>
    %sub3A_324 = arith.constant 4095 : i32
    %sub3A_325 = vector.broadcast %sub3A_324 : i32 to vector<384x1xi32>
    %sub3A_326 = arith.subi %sub3A_325, %and3A_323 : vector<384x1xi32>
    %eq3A_327 = vector.broadcast %broadcast_in_dim3A_320 : vector<384x1xi32> to vector<384x2304xi32>
    %eq3A_328 = arith.cmpi eq, %select_n3A_317, %eq3A_327 : vector<384x2304xi32>
    %jit3A_329 = arith.constant -2147483648 : i32
    %broadcast_in_dim3A_330 = vector.broadcast %jit3A_329 : i32 to vector<384x2304xi32>
    %select_n3A_331 = arith.select %eq3A_328, %broadcast_in_dim3A_330, %select_n3A_317 : vector<384x2304xi1>, vector<384x2304xi32>
    %reduce_max3A_332 = arith.constant dense<-2147483648> : vector<384xi32>
    %reduce_max3A_333 = vector.multi_reduction <maxsi>, %select_n3A_331, %reduce_max3A_332 [1] : vector<384x2304xi32> to vector<384xi32>
    %broadcast_in_dim3A_334 = vector.shape_cast %reduce_max3A_333 : vector<384xi32> to vector<384x1xi32>
    %and3A_335 = arith.constant 4095 : i32
    %and3A_336 = vector.broadcast %and3A_335 : i32 to vector<384x1xi32>
    %and3A_337 = arith.andi %broadcast_in_dim3A_334, %and3A_336 : vector<384x1xi32>
    %sub3A_338 = arith.constant 4095 : i32
    %sub3A_339 = vector.broadcast %sub3A_338 : i32 to vector<384x1xi32>
    %sub3A_340 = arith.subi %sub3A_339, %and3A_337 : vector<384x1xi32>
    %eq3A_341 = vector.broadcast %broadcast_in_dim3A_334 : vector<384x1xi32> to vector<384x2304xi32>
    %eq3A_342 = arith.cmpi eq, %select_n3A_331, %eq3A_341 : vector<384x2304xi32>
    %jit3A_343 = arith.constant -2147483648 : i32
    %broadcast_in_dim3A_344 = vector.broadcast %jit3A_343 : i32 to vector<384x2304xi32>
    %select_n3A_345 = arith.select %eq3A_342, %broadcast_in_dim3A_344, %select_n3A_331 : vector<384x2304xi1>, vector<384x2304xi32>
    %reduce_max3A_346 = arith.constant dense<-2147483648> : vector<384xi32>
    %reduce_max3A_347 = vector.multi_reduction <maxsi>, %select_n3A_345, %reduce_max3A_346 [1] : vector<384x2304xi32> to vector<384xi32>
    %broadcast_in_dim3A_348 = vector.shape_cast %reduce_max3A_347 : vector<384xi32> to vector<384x1xi32>
    %and3A_349 = arith.constant 4095 : i32
    %and3A_350 = vector.broadcast %and3A_349 : i32 to vector<384x1xi32>
    %and3A_351 = arith.andi %broadcast_in_dim3A_348, %and3A_350 : vector<384x1xi32>
    %sub3A_352 = arith.constant 4095 : i32
    %sub3A_353 = vector.broadcast %sub3A_352 : i32 to vector<384x1xi32>
    %sub3A_354 = arith.subi %sub3A_353, %and3A_351 : vector<384x1xi32>
    %eq3A_355 = vector.broadcast %broadcast_in_dim3A_348 : vector<384x1xi32> to vector<384x2304xi32>
    %eq3A_356 = arith.cmpi eq, %select_n3A_345, %eq3A_355 : vector<384x2304xi32>
    %jit3A_357 = arith.constant -2147483648 : i32
    %broadcast_in_dim3A_358 = vector.broadcast %jit3A_357 : i32 to vector<384x2304xi32>
    %select_n3A_359 = arith.select %eq3A_356, %broadcast_in_dim3A_358, %select_n3A_345 : vector<384x2304xi1>, vector<384x2304xi32>
    %reduce_max3A_360 = arith.constant dense<-2147483648> : vector<384xi32>
    %reduce_max3A_361 = vector.multi_reduction <maxsi>, %select_n3A_359, %reduce_max3A_360 [1] : vector<384x2304xi32> to vector<384xi32>
    %broadcast_in_dim3A_362 = vector.shape_cast %reduce_max3A_361 : vector<384xi32> to vector<384x1xi32>
    %and3A_363 = arith.constant 4095 : i32
    %and3A_364 = vector.broadcast %and3A_363 : i32 to vector<384x1xi32>
    %and3A_365 = arith.andi %broadcast_in_dim3A_362, %and3A_364 : vector<384x1xi32>
    %sub3A_366 = arith.constant 4095 : i32
    %sub3A_367 = vector.broadcast %sub3A_366 : i32 to vector<384x1xi32>
    %sub3A_368 = arith.subi %sub3A_367, %and3A_365 : vector<384x1xi32>
    %eq3A_369 = vector.broadcast %broadcast_in_dim3A_362 : vector<384x1xi32> to vector<384x2304xi32>
    %eq3A_370 = arith.cmpi eq, %select_n3A_359, %eq3A_369 : vector<384x2304xi32>
    %jit3A_371 = arith.constant -2147483648 : i32
    %broadcast_in_dim3A_372 = vector.broadcast %jit3A_371 : i32 to vector<384x2304xi32>
    %select_n3A_373 = arith.select %eq3A_370, %broadcast_in_dim3A_372, %select_n3A_359 : vector<384x2304xi1>, vector<384x2304xi32>
    %reduce_max3A_374 = arith.constant dense<-2147483648> : vector<384xi32>
    %reduce_max3A_375 = vector.multi_reduction <maxsi>, %select_n3A_373, %reduce_max3A_374 [1] : vector<384x2304xi32> to vector<384xi32>
    %broadcast_in_dim3A_376 = vector.shape_cast %reduce_max3A_375 : vector<384xi32> to vector<384x1xi32>
    %and3A_377 = arith.constant 4095 : i32
    %and3A_378 = vector.broadcast %and3A_377 : i32 to vector<384x1xi32>
    %and3A_379 = arith.andi %broadcast_in_dim3A_376, %and3A_378 : vector<384x1xi32>
    %sub3A_380 = arith.constant 4095 : i32
    %sub3A_381 = vector.broadcast %sub3A_380 : i32 to vector<384x1xi32>
    %sub3A_382 = arith.subi %sub3A_381, %and3A_379 : vector<384x1xi32>
    %eq3A_383 = vector.broadcast %broadcast_in_dim3A_376 : vector<384x1xi32> to vector<384x2304xi32>
    %eq3A_384 = arith.cmpi eq, %select_n3A_373, %eq3A_383 : vector<384x2304xi32>
    %jit3A_385 = arith.constant -2147483648 : i32
    %broadcast_in_dim3A_386 = vector.broadcast %jit3A_385 : i32 to vector<384x2304xi32>
    %select_n3A_387 = arith.select %eq3A_384, %broadcast_in_dim3A_386, %select_n3A_373 : vector<384x2304xi1>, vector<384x2304xi32>
    %reduce_max3A_388 = arith.constant dense<-2147483648> : vector<384xi32>
    %reduce_max3A_389 = vector.multi_reduction <maxsi>, %select_n3A_387, %reduce_max3A_388 [1] : vector<384x2304xi32> to vector<384xi32>
    %broadcast_in_dim3A_390 = vector.shape_cast %reduce_max3A_389 : vector<384xi32> to vector<384x1xi32>
    %and3A_391 = arith.constant 4095 : i32
    %and3A_392 = vector.broadcast %and3A_391 : i32 to vector<384x1xi32>
    %and3A_393 = arith.andi %broadcast_in_dim3A_390, %and3A_392 : vector<384x1xi32>
    %sub3A_394 = arith.constant 4095 : i32
    %sub3A_395 = vector.broadcast %sub3A_394 : i32 to vector<384x1xi32>
    %sub3A_396 = arith.subi %sub3A_395, %and3A_393 : vector<384x1xi32>
    %eq3A_397 = vector.broadcast %broadcast_in_dim3A_390 : vector<384x1xi32> to vector<384x2304xi32>
    %eq3A_398 = arith.cmpi eq, %select_n3A_387, %eq3A_397 : vector<384x2304xi32>
    %jit3A_399 = arith.constant -2147483648 : i32
    %broadcast_in_dim3A_400 = vector.broadcast %jit3A_399 : i32 to vector<384x2304xi32>
    %select_n3A_401 = arith.select %eq3A_398, %broadcast_in_dim3A_400, %select_n3A_387 : vector<384x2304xi1>, vector<384x2304xi32>
    %reduce_max3A_402 = arith.constant dense<-2147483648> : vector<384xi32>
    %reduce_max3A_403 = vector.multi_reduction <maxsi>, %select_n3A_401, %reduce_max3A_402 [1] : vector<384x2304xi32> to vector<384xi32>
    %broadcast_in_dim3A_404 = vector.shape_cast %reduce_max3A_403 : vector<384xi32> to vector<384x1xi32>
    %and3A_405 = arith.constant 4095 : i32
    %and3A_406 = vector.broadcast %and3A_405 : i32 to vector<384x1xi32>
    %and3A_407 = arith.andi %broadcast_in_dim3A_404, %and3A_406 : vector<384x1xi32>
    %sub3A_408 = arith.constant 4095 : i32
    %sub3A_409 = vector.broadcast %sub3A_408 : i32 to vector<384x1xi32>
    %sub3A_410 = arith.subi %sub3A_409, %and3A_407 : vector<384x1xi32>
    %eq3A_411 = vector.broadcast %broadcast_in_dim3A_404 : vector<384x1xi32> to vector<384x2304xi32>
    %eq3A_412 = arith.cmpi eq, %select_n3A_401, %eq3A_411 : vector<384x2304xi32>
    %jit3A_413 = arith.constant -2147483648 : i32
    %broadcast_in_dim3A_414 = vector.broadcast %jit3A_413 : i32 to vector<384x2304xi32>
    %select_n3A_415 = arith.select %eq3A_412, %broadcast_in_dim3A_414, %select_n3A_401 : vector<384x2304xi1>, vector<384x2304xi32>
    %reduce_max3A_416 = arith.constant dense<-2147483648> : vector<384xi32>
    %reduce_max3A_417 = vector.multi_reduction <maxsi>, %select_n3A_415, %reduce_max3A_416 [1] : vector<384x2304xi32> to vector<384xi32>
    %broadcast_in_dim3A_418 = vector.shape_cast %reduce_max3A_417 : vector<384xi32> to vector<384x1xi32>
    %and3A_419 = arith.constant 4095 : i32
    %and3A_420 = vector.broadcast %and3A_419 : i32 to vector<384x1xi32>
    %and3A_421 = arith.andi %broadcast_in_dim3A_418, %and3A_420 : vector<384x1xi32>
    %sub3A_422 = arith.constant 4095 : i32
    %sub3A_423 = vector.broadcast %sub3A_422 : i32 to vector<384x1xi32>
    %sub3A_424 = arith.subi %sub3A_423, %and3A_421 : vector<384x1xi32>
    %eq3A_425 = vector.broadcast %broadcast_in_dim3A_418 : vector<384x1xi32> to vector<384x2304xi32>
    %eq3A_426 = arith.cmpi eq, %select_n3A_415, %eq3A_425 : vector<384x2304xi32>
    %jit3A_427 = arith.constant -2147483648 : i32
    %broadcast_in_dim3A_428 = vector.broadcast %jit3A_427 : i32 to vector<384x2304xi32>
    %select_n3A_429 = arith.select %eq3A_426, %broadcast_in_dim3A_428, %select_n3A_415 : vector<384x2304xi1>, vector<384x2304xi32>
    %reduce_max3A_430 = arith.constant dense<-2147483648> : vector<384xi32>
    %reduce_max3A_431 = vector.multi_reduction <maxsi>, %select_n3A_429, %reduce_max3A_430 [1] : vector<384x2304xi32> to vector<384xi32>
    %broadcast_in_dim3A_432 = vector.shape_cast %reduce_max3A_431 : vector<384xi32> to vector<384x1xi32>
    %and3A_433 = arith.constant 4095 : i32
    %and3A_434 = vector.broadcast %and3A_433 : i32 to vector<384x1xi32>
    %and3A_435 = arith.andi %broadcast_in_dim3A_432, %and3A_434 : vector<384x1xi32>
    %sub3A_436 = arith.constant 4095 : i32
    %sub3A_437 = vector.broadcast %sub3A_436 : i32 to vector<384x1xi32>
    %sub3A_438 = arith.subi %sub3A_437, %and3A_435 : vector<384x1xi32>
    %eq3A_439 = vector.broadcast %broadcast_in_dim3A_432 : vector<384x1xi32> to vector<384x2304xi32>
    %eq3A_440 = arith.cmpi eq, %select_n3A_429, %eq3A_439 : vector<384x2304xi32>
    %jit3A_441 = arith.constant -2147483648 : i32
    %broadcast_in_dim3A_442 = vector.broadcast %jit3A_441 : i32 to vector<384x2304xi32>
    %select_n3A_443 = arith.select %eq3A_440, %broadcast_in_dim3A_442, %select_n3A_429 : vector<384x2304xi1>, vector<384x2304xi32>
    %reduce_max3A_444 = arith.constant dense<-2147483648> : vector<384xi32>
    %reduce_max3A_445 = vector.multi_reduction <maxsi>, %select_n3A_443, %reduce_max3A_444 [1] : vector<384x2304xi32> to vector<384xi32>
    %broadcast_in_dim3A_446 = vector.shape_cast %reduce_max3A_445 : vector<384xi32> to vector<384x1xi32>
    %and3A_447 = arith.constant 4095 : i32
    %and3A_448 = vector.broadcast %and3A_447 : i32 to vector<384x1xi32>
    %and3A_449 = arith.andi %broadcast_in_dim3A_446, %and3A_448 : vector<384x1xi32>
    %sub3A_450 = arith.constant 4095 : i32
    %sub3A_451 = vector.broadcast %sub3A_450 : i32 to vector<384x1xi32>
    %sub3A_452 = arith.subi %sub3A_451, %and3A_449 : vector<384x1xi32>
    %eq3A_453 = vector.broadcast %broadcast_in_dim3A_446 : vector<384x1xi32> to vector<384x2304xi32>
    %eq3A_454 = arith.cmpi eq, %select_n3A_443, %eq3A_453 : vector<384x2304xi32>
    %jit3A_455 = arith.constant -2147483648 : i32
    %broadcast_in_dim3A_456 = vector.broadcast %jit3A_455 : i32 to vector<384x2304xi32>
    %select_n3A_457 = arith.select %eq3A_454, %broadcast_in_dim3A_456, %select_n3A_443 : vector<384x2304xi1>, vector<384x2304xi32>
    %reduce_max3A_458 = arith.constant dense<-2147483648> : vector<384xi32>
    %reduce_max3A_459 = vector.multi_reduction <maxsi>, %select_n3A_457, %reduce_max3A_458 [1] : vector<384x2304xi32> to vector<384xi32>
    %broadcast_in_dim3A_460 = vector.shape_cast %reduce_max3A_459 : vector<384xi32> to vector<384x1xi32>
    %and3A_461 = arith.constant 4095 : i32
    %and3A_462 = vector.broadcast %and3A_461 : i32 to vector<384x1xi32>
    %and3A_463 = arith.andi %broadcast_in_dim3A_460, %and3A_462 : vector<384x1xi32>
    %sub3A_464 = arith.constant 4095 : i32
    %sub3A_465 = vector.broadcast %sub3A_464 : i32 to vector<384x1xi32>
    %sub3A_466 = arith.subi %sub3A_465, %and3A_463 : vector<384x1xi32>
    %eq3A_467 = vector.broadcast %broadcast_in_dim3A_460 : vector<384x1xi32> to vector<384x2304xi32>
    %eq3A_468 = arith.cmpi eq, %select_n3A_457, %eq3A_467 : vector<384x2304xi32>
    %jit3A_469 = arith.constant -2147483648 : i32
    %broadcast_in_dim3A_470 = vector.broadcast %jit3A_469 : i32 to vector<384x2304xi32>
    %select_n3A_471 = arith.select %eq3A_468, %broadcast_in_dim3A_470, %select_n3A_457 : vector<384x2304xi1>, vector<384x2304xi32>
    %reduce_max3A_472 = arith.constant dense<-2147483648> : vector<384xi32>
    %reduce_max3A_473 = vector.multi_reduction <maxsi>, %select_n3A_471, %reduce_max3A_472 [1] : vector<384x2304xi32> to vector<384xi32>
    %broadcast_in_dim3A_474 = vector.shape_cast %reduce_max3A_473 : vector<384xi32> to vector<384x1xi32>
    %and3A_475 = arith.constant 4095 : i32
    %and3A_476 = vector.broadcast %and3A_475 : i32 to vector<384x1xi32>
    %and3A_477 = arith.andi %broadcast_in_dim3A_474, %and3A_476 : vector<384x1xi32>
    %sub3A_478 = arith.constant 4095 : i32
    %sub3A_479 = vector.broadcast %sub3A_478 : i32 to vector<384x1xi32>
    %sub3A_480 = arith.subi %sub3A_479, %and3A_477 : vector<384x1xi32>
    %eq3A_481 = vector.broadcast %broadcast_in_dim3A_474 : vector<384x1xi32> to vector<384x2304xi32>
    %eq3A_482 = arith.cmpi eq, %select_n3A_471, %eq3A_481 : vector<384x2304xi32>
    %jit3A_483 = arith.constant -2147483648 : i32
    %broadcast_in_dim3A_484 = vector.broadcast %jit3A_483 : i32 to vector<384x2304xi32>
    %select_n3A_485 = arith.select %eq3A_482, %broadcast_in_dim3A_484, %select_n3A_471 : vector<384x2304xi1>, vector<384x2304xi32>
    %reduce_max3A_486 = arith.constant dense<-2147483648> : vector<384xi32>
    %reduce_max3A_487 = vector.multi_reduction <maxsi>, %select_n3A_485, %reduce_max3A_486 [1] : vector<384x2304xi32> to vector<384xi32>
    %broadcast_in_dim3A_488 = vector.shape_cast %reduce_max3A_487 : vector<384xi32> to vector<384x1xi32>
    %and3A_489 = arith.constant 4095 : i32
    %and3A_490 = vector.broadcast %and3A_489 : i32 to vector<384x1xi32>
    %and3A_491 = arith.andi %broadcast_in_dim3A_488, %and3A_490 : vector<384x1xi32>
    %sub3A_492 = arith.constant 4095 : i32
    %sub3A_493 = vector.broadcast %sub3A_492 : i32 to vector<384x1xi32>
    %sub3A_494 = arith.subi %sub3A_493, %and3A_491 : vector<384x1xi32>
    %eq3A_495 = vector.broadcast %broadcast_in_dim3A_488 : vector<384x1xi32> to vector<384x2304xi32>
    %eq3A_496 = arith.cmpi eq, %select_n3A_485, %eq3A_495 : vector<384x2304xi32>
    %jit3A_497 = arith.constant -2147483648 : i32
    %broadcast_in_dim3A_498 = vector.broadcast %jit3A_497 : i32 to vector<384x2304xi32>
    %select_n3A_499 = arith.select %eq3A_496, %broadcast_in_dim3A_498, %select_n3A_485 : vector<384x2304xi1>, vector<384x2304xi32>
    %reduce_max3A_500 = arith.constant dense<-2147483648> : vector<384xi32>
    %reduce_max3A_501 = vector.multi_reduction <maxsi>, %select_n3A_499, %reduce_max3A_500 [1] : vector<384x2304xi32> to vector<384xi32>
    %broadcast_in_dim3A_502 = vector.shape_cast %reduce_max3A_501 : vector<384xi32> to vector<384x1xi32>
    %and3A_503 = arith.constant 4095 : i32
    %and3A_504 = vector.broadcast %and3A_503 : i32 to vector<384x1xi32>
    %and3A_505 = arith.andi %broadcast_in_dim3A_502, %and3A_504 : vector<384x1xi32>
    %sub3A_506 = arith.constant 4095 : i32
    %sub3A_507 = vector.broadcast %sub3A_506 : i32 to vector<384x1xi32>
    %sub3A_508 = arith.subi %sub3A_507, %and3A_505 : vector<384x1xi32>
    %concatenate3A_509 = tpu.concatenate %sub3A_298, %sub3A_312, %sub3A_326, %sub3A_340, %sub3A_354, %sub3A_368, %sub3A_382, %sub3A_396, %sub3A_410, %sub3A_424, %sub3A_438, %sub3A_452, %sub3A_466, %sub3A_480, %sub3A_494, %sub3A_508 in 1 : vector<384x1xi32>, vector<384x1xi32>, vector<384x1xi32>, vector<384x1xi32>, vector<384x1xi32>, vector<384x1xi32>, vector<384x1xi32>, vector<384x1xi32>, vector<384x1xi32>, vector<384x1xi32>, vector<384x1xi32>, vector<384x1xi32>, vector<384x1xi32>, vector<384x1xi32>, vector<384x1xi32>, vector<384x1xi32> -> vector<384x16xi32>
    %swap3A_510 = arith.constant 0 : index
    %swap3A_511 = arith.constant 0 : index
    %swap3A_512 = arith.constant 0 : index
    %swap3A_513 = vector.load %arg9[%swap3A_510, %swap3A_511, %swap3A_512] : memref<1x384x16xi32, #tpu.memory_space<vmem>>, vector<1x384x16xi32>
    %swap3A_514 = vector.shape_cast %swap3A_513 : vector<1x384x16xi32> to vector<384x16xi32>
    %swap3A_515 = vector.shape_cast %concatenate3A_509 : vector<384x16xi32> to vector<1x384x16xi32>
    tpu.vector_store %arg9[%swap3A_510, %swap3A_511, %swap3A_512], %swap3A_515 {strides = array<i32>} : memref<1x384x16xi32, #tpu.memory_space<vmem>>, vector<1x384x16xi32>,
    return
  }
  func.func @transform_0(%arg0: i32, %arg1: i32) -> (i32, i32, i32) {
    %c0_i32 = arith.constant 0 : i32
    %c0_i32_0 = arith.constant 0 : i32
    return %arg0, %c0_i32, %arg1 : i32, i32, i32
  }
  func.func @transform_1(%arg0: i32, %arg1: i32) -> (i32, i32, i32) {
    %c0_i32 = arith.constant 0 : i32
    %c0_i32_0 = arith.constant 0 : i32
    %c0_i32_1 = arith.constant 0 : i32
    return %arg0, %c0_i32, %c0_i32_0 : i32, i32, i32
  }
  func.func @transform_2(%arg0: i32, %arg1: i32) -> (i32, i32, i32) {
    %c0_i32 = arith.constant 0 : i32
    %c0_i32_0 = arith.constant 0 : i32
    %c0_i32_1 = arith.constant 0 : i32
    return %arg0, %c0_i32, %c0_i32_0 : i32, i32, i32
  }
  func.func @transform_3(%arg0: i32, %arg1: i32) -> (i32, i32, i32) {
    %c0_i32 = arith.constant 0 : i32
    %c0_i32_0 = arith.constant 0 : i32
    return %arg0, %c0_i32, %arg1 : i32, i32, i32
  }
  func.func @transform_4(%arg0: i32, %arg1: i32) -> (i32, i32, i32) {
    %c0_i32 = arith.constant 0 : i32
    %c0_i32_0 = arith.constant 0 : i32
    %c0_i32_1 = arith.constant 0 : i32
    return %arg0, %c0_i32, %c0_i32_0 : i32, i32, i32
  }
  func.func @transform_5(%arg0: i32, %arg1: i32) -> (i32, i32, i32) {
    %c0_i32 = arith.constant 0 : i32
    %c0_i32_0 = arith.constant 0 : i32
    %c0_i32_1 = arith.constant 0 : i32
    return %arg0, %c0_i32, %c0_i32_0 : i32, i32, i32
  }
  func.func @transform_6(%arg0: i32, %arg1: i32) -> (i32, i32, i32) {
    %c0_i32 = arith.constant 0 : i32
    %c0_i32_0 = arith.constant 0 : i32
    return %arg0, %arg1, %c0_i32 : i32, i32, i32
  }
  func.func @transform_7(%arg0: i32, %arg1: i32) -> (i32, i32, i32) {
    %c0_i32 = arith.constant 0 : i32
    %c0_i32_0 = arith.constant 0 : i32
    return %arg0, %arg1, %c0_i32 : i32, i32, i32
  }
}

module attributes {stable_mosaic.version = 14 : i64} {
  func.func @_finish_body(%arg0: i32, %arg1: memref<1x128x1xf32, #tpu.memory_space<vmem>>, %arg2: memref<4x128xf32, #tpu.memory_space<vmem>>, %arg3: memref<4x1xf32, #tpu.memory_space<vmem>>, %arg4: memref<64x4xf32, #tpu.memory_space<vmem>>, %arg5: memref<64x1xf32, #tpu.memory_space<vmem>>, %arg6: memref<1x1xf32, #tpu.memory_space<vmem>>, %arg7: memref<1x1xf32, #tpu.memory_space<vmem>>, %arg8: memref<1x64x2304xf32, #tpu.memory_space<vmem>>, %arg9: memref<1x64x2304xf32, #tpu.memory_space<vmem>>, %arg10: memref<1x64x2304xf32, #tpu.memory_space<vmem>>) attributes {dimension_semantics = [#tpu.dimension_semantics<arbitrary>], iteration_bounds = array<i64: 4>, scalar_prefetch = 0 : i64, scratch_operands = 0 : i64, tpu.core_type = #tpu.core_type<tc>, window_params = [{transform_indices = @transform_0, window_bounds = array<i64: 1, 128, 1>}, {pipeline_mode = #tpu.pipeline_mode<synchronous>, transform_indices = @transform_1, window_bounds = array<i64: 4, 128>}, {pipeline_mode = #tpu.pipeline_mode<synchronous>, transform_indices = @transform_2, window_bounds = array<i64: 4, 1>}, {pipeline_mode = #tpu.pipeline_mode<synchronous>, transform_indices = @transform_3, window_bounds = array<i64: 64, 4>}, {pipeline_mode = #tpu.pipeline_mode<synchronous>, transform_indices = @transform_4, window_bounds = array<i64: 64, 1>}, {pipeline_mode = #tpu.pipeline_mode<synchronous>, transform_indices = @transform_5, window_bounds = array<i64: 1, 1>}, {pipeline_mode = #tpu.pipeline_mode<synchronous>, transform_indices = @transform_6, window_bounds = array<i64: 1, 1>}, {transform_indices = @transform_7, window_bounds = array<i64: 1, 64, 2304>}, {transform_indices = @transform_8, window_bounds = array<i64: 1, 64, 2304>}, {transform_indices = @transform_9, window_bounds = array<i64: 1, 64, 2304>}]} {
    %get3A = arith.constant 0 : index
    %get3A_0 = arith.constant 0 : index
    %get3A_1 = arith.constant 0 : index
    %get3A_2 = vector.load %arg1[%get3A, %get3A_0, %get3A_1] : memref<1x128x1xf32, #tpu.memory_space<vmem>>, vector<1x128x1xf32>
    %get3A_3 = vector.shape_cast %get3A_2 : vector<1x128x1xf32> to vector<128x1xf32>
    %get3A_4 = arith.constant 0 : index
    %get3A_5 = arith.constant 0 : index
    %get3A_6 = vector.load %arg2[%get3A_4, %get3A_5] : memref<4x128xf32, #tpu.memory_space<vmem>>, vector<4x128xf32>
    %dot_general3A = arith.constant dense<0.000000e+00> : vector<4x1xf32>
    %dot_general3A_7 = tpu.matmul %get3A_6, %get3A_3, %dot_general3A {dimension_numbers = #tpu.dot_dimension_numbers<[1], [0], [0], [1], [0, 0, 1, 1], [], []>, transpose_lhs_hint = false} : vector<4x128xf32>, vector<128x1xf32>, vector<4x1xf32> -> vector<4x1xf32>
    %get3A_8 = arith.constant 0 : index
    %get3A_9 = arith.constant 0 : index
    %get3A_10 = vector.load %arg3[%get3A_8, %get3A_9] : memref<4x1xf32, #tpu.memory_space<vmem>>, vector<4x1xf32>
    %add3A = arith.addf %dot_general3A_7, %get3A_10 : vector<4x1xf32>
    %gt3A = arith.constant 0.000000e+00 : f32
    %gt3A_11 = vector.broadcast %gt3A : f32 to vector<4x1xf32>
    %gt3A_12 = arith.cmpf ogt, %add3A, %gt3A_11 : vector<4x1xf32>
    %mul3A = arith.constant 0.00999999977 : f32
    %mul3A_13 = vector.broadcast %mul3A : f32 to vector<4x1xf32>
    %mul3A_14 = arith.mulf %mul3A_13, %add3A : vector<4x1xf32>
    %select_n3A = arith.select %gt3A_12, %add3A, %mul3A_14 : vector<4x1xi1>, vector<4x1xf32>
    %get3A_15 = arith.constant 0 : index
    %get3A_16 = arith.constant 0 : index
    %get3A_17 = vector.load %arg4[%get3A_15, %get3A_16] : memref<64x4xf32, #tpu.memory_space<vmem>>, vector<64x4xf32>
    %dot_general3A_18 = arith.constant dense<0.000000e+00> : vector<64x1xf32>
    %dot_general3A_19 = tpu.matmul %get3A_17, %select_n3A, %dot_general3A_18 {dimension_numbers = #tpu.dot_dimension_numbers<[1], [0], [0], [1], [0, 0, 1, 1], [], []>, transpose_lhs_hint = false} : vector<64x4xf32>, vector<4x1xf32>, vector<64x1xf32> -> vector<64x1xf32>
    %get3A_20 = arith.constant 0 : index
    %get3A_21 = arith.constant 0 : index
    %get3A_22 = vector.load %arg5[%get3A_20, %get3A_21] : memref<64x1xf32, #tpu.memory_space<vmem>>, vector<64x1xf32>
    %add3A_23 = arith.addf %dot_general3A_19, %get3A_22 : vector<64x1xf32>
    %logistic3A = arith.negf %add3A_23 : vector<64x1xf32>
    %logistic3A_24 = math.exp %logistic3A : vector<64x1xf32>
    %logistic3A_25 = arith.constant 1.000000e+00 : f32
    %logistic3A_26 = vector.broadcast %logistic3A_25 : f32 to vector<64x1xf32>
    %logistic3A_27 = arith.addf %logistic3A_26, %logistic3A_24 : vector<64x1xf32>
    %logistic3A_28 = arith.divf %logistic3A_26, %logistic3A_27 : vector<64x1xf32>
    %get3A_29 = arith.constant 0 : index
    %get3A_30 = arith.constant 0 : index
    %get3A_31 = vector.load %arg6[%get3A_29, %get3A_30] : memref<1x1xf32, #tpu.memory_space<vmem>>, vector<1x1xf32>
    %get3A_32 = vector.extract %get3A_31[0, 0] : f32 from vector<1x1xf32>
    %get3A_33 = arith.constant 0 : index
    %get3A_34 = arith.constant 0 : index
    %get3A_35 = vector.load %arg7[%get3A_33, %get3A_34] : memref<1x1xf32, #tpu.memory_space<vmem>>, vector<1x1xf32>
    %get3A_36 = vector.extract %get3A_35[0, 0] : f32 from vector<1x1xf32>
    %mul3A_37 = vector.broadcast %get3A_32 : f32 to vector<64x1xf32>
    %mul3A_38 = arith.mulf %mul3A_37, %logistic3A_28 : vector<64x1xf32>
    %get3A_39 = arith.constant 0 : index
    %get3A_40 = arith.constant 0 : index
    %get3A_41 = arith.constant 0 : index
    %get3A_42 = vector.load %arg8[%get3A_39, %get3A_40, %get3A_41] : memref<1x64x2304xf32, #tpu.memory_space<vmem>>, vector<1x64x2304xf32>
    %get3A_43 = vector.shape_cast %get3A_42 : vector<1x64x2304xf32> to vector<64x2304xf32>
    %mul3A_44 = vector.broadcast %mul3A_38 : vector<64x1xf32> to vector<64x2304xf32>
    %mul3A_45 = arith.mulf %mul3A_44, %get3A_43 : vector<64x2304xf32>
    %sub3A = arith.constant 1.000000e+00 : f32
    %sub3A_46 = vector.broadcast %sub3A : f32 to vector<64x1xf32>
    %sub3A_47 = arith.subf %sub3A_46, %logistic3A_28 : vector<64x1xf32>
    %mul3A_48 = vector.broadcast %get3A_36 : f32 to vector<64x1xf32>
    %mul3A_49 = arith.mulf %mul3A_48, %sub3A_47 : vector<64x1xf32>
    %get3A_50 = arith.constant 0 : index
    %get3A_51 = arith.constant 0 : index
    %get3A_52 = arith.constant 0 : index
    %get3A_53 = vector.load %arg9[%get3A_50, %get3A_51, %get3A_52] : memref<1x64x2304xf32, #tpu.memory_space<vmem>>, vector<1x64x2304xf32>
    %get3A_54 = vector.shape_cast %get3A_53 : vector<1x64x2304xf32> to vector<64x2304xf32>
    %mul3A_55 = vector.broadcast %mul3A_49 : vector<64x1xf32> to vector<64x2304xf32>
    %mul3A_56 = arith.mulf %mul3A_55, %get3A_54 : vector<64x2304xf32>
    %add3A_57 = arith.addf %mul3A_45, %mul3A_56 : vector<64x2304xf32>
    %max3A = arith.constant 0.000000e+00 : f32
    %max3A_58 = vector.broadcast %max3A : f32 to vector<64x2304xf32>
    %max3A_59 = arith.maximumf %add3A_57, %max3A_58 : vector<64x2304xf32>
    %swap3A = arith.constant 0 : index
    %swap3A_60 = arith.constant 0 : index
    %swap3A_61 = arith.constant 0 : index
    %swap3A_62 = vector.load %arg10[%swap3A, %swap3A_60, %swap3A_61] : memref<1x64x2304xf32, #tpu.memory_space<vmem>>, vector<1x64x2304xf32>
    %swap3A_63 = vector.shape_cast %swap3A_62 : vector<1x64x2304xf32> to vector<64x2304xf32>
    %swap3A_64 = vector.shape_cast %max3A_59 : vector<64x2304xf32> to vector<1x64x2304xf32>
    tpu.vector_store %arg10[%swap3A, %swap3A_60, %swap3A_61], %swap3A_64 {strides = array<i32>} : memref<1x64x2304xf32, #tpu.memory_space<vmem>>, vector<1x64x2304xf32>,
    return
  }
  func.func @transform_0(%arg0: i32) -> (i32, i32, i32) {
    %c0_i32 = arith.constant 0 : i32
    %c0_i32_0 = arith.constant 0 : i32
    %c0_i32_1 = arith.constant 0 : i32
    return %arg0, %c0_i32, %c0_i32_0 : i32, i32, i32
  }
  func.func @transform_1(%arg0: i32) -> (i32, i32) {
    %c0_i32 = arith.constant 0 : i32
    %c0_i32_0 = arith.constant 0 : i32
    %c0_i32_1 = arith.constant 0 : i32
    return %c0_i32, %c0_i32_0 : i32, i32
  }
  func.func @transform_2(%arg0: i32) -> (i32, i32) {
    %c0_i32 = arith.constant 0 : i32
    %c0_i32_0 = arith.constant 0 : i32
    %c0_i32_1 = arith.constant 0 : i32
    return %c0_i32, %c0_i32_0 : i32, i32
  }
  func.func @transform_3(%arg0: i32) -> (i32, i32) {
    %c0_i32 = arith.constant 0 : i32
    %c0_i32_0 = arith.constant 0 : i32
    %c0_i32_1 = arith.constant 0 : i32
    return %c0_i32, %c0_i32_0 : i32, i32
  }
  func.func @transform_4(%arg0: i32) -> (i32, i32) {
    %c0_i32 = arith.constant 0 : i32
    %c0_i32_0 = arith.constant 0 : i32
    %c0_i32_1 = arith.constant 0 : i32
    return %c0_i32, %c0_i32_0 : i32, i32
  }
  func.func @transform_5(%arg0: i32) -> (i32, i32) {
    %c0_i32 = arith.constant 0 : i32
    %c0_i32_0 = arith.constant 0 : i32
    %c0_i32_1 = arith.constant 0 : i32
    return %c0_i32, %c0_i32_0 : i32, i32
  }
  func.func @transform_6(%arg0: i32) -> (i32, i32) {
    %c0_i32 = arith.constant 0 : i32
    %c0_i32_0 = arith.constant 0 : i32
    %c0_i32_1 = arith.constant 0 : i32
    return %c0_i32, %c0_i32_0 : i32, i32
  }
  func.func @transform_7(%arg0: i32) -> (i32, i32, i32) {
    %c0_i32 = arith.constant 0 : i32
    %c0_i32_0 = arith.constant 0 : i32
    %c0_i32_1 = arith.constant 0 : i32
    return %arg0, %c0_i32, %c0_i32_0 : i32, i32, i32
  }
  func.func @transform_8(%arg0: i32) -> (i32, i32, i32) {
    %c0_i32 = arith.constant 0 : i32
    %c0_i32_0 = arith.constant 0 : i32
    %c0_i32_1 = arith.constant 0 : i32
    return %arg0, %c0_i32, %c0_i32_0 : i32, i32, i32
  }
  func.func @transform_9(%arg0: i32) -> (i32, i32, i32) {
    %c0_i32 = arith.constant 0 : i32
    %c0_i32_0 = arith.constant 0 : i32
    %c0_i32_1 = arith.constant 0 : i32
    return %arg0, %c0_i32, %c0_i32_0 : i32, i32, i32
  }
}

</mosaic_0001>

<sc_bundles>
// kernel: kernel.6.cloned.1.call-start
scs
__scs_entry_jumppad:
0x0: {  	(pc) =	sbr.rel $0x88, $3  }
0x1: {  	(tag) =	ssettag $0x0;
	lr =	simm.s32 $0x1  }
0x2: {  	[smem:$0x3F93] =	sst lr;
	_ =	strace $0xD0000000  }
0x3: {  	_ = 	snop  }
0x4: {  	_ = 	snop  }
0x5: {  	_ = 	snop  }
0x6: {  	_ = 	snop  }
0x7: {  	_ = 	snop  }
__scs_overlays_trampoline_lowered:
0x8: {  	[smem:$0x3FA2] =	sst s0  }
0x9: {  	[smem:$0x3FA3] =	sst s1  }
0xa: {  	[smem:$0x3FA4] =	sst s2  }
0xb: {  	[smem:$0x3FA5] =	sst s3  }
0xc: {  	[smem:$0x3FA6] =	sst s4  }
0xd: {  	[smem:$0x3FA7] =	sst s5  }
0xe: {  	[smem:$0x3FA8] =	sst s6  }
0xf: {  	[smem:$0x3FA9] =	sst s7  }
0x10: {  	[smem:$0x3FAA] =	sst s8  }
0x11: {  	[smem:$0x3FAB] =	sst s9;
	s0 =	simm.s32 @!p0 $0x0  }
0x12: {  	s1 =	sld [smem:$0x3F91];
	s0 =	simm.s32 @p0 $0x1  }
0x13: {  	[smem:$0x3FAC] =	sst s0;
	s0 =	simm.s32 @!p1 $0x0  }
0x14: {  	s2 =	sld [smem:$0x3F90];
	s0 =	simm.s32 @p1 $0x1  }
0x15: {  	[smem:$0x3FAD] =	sst s0;
	s0 =	simm.s32 @!p2 $0x0  }
0x16: {  	s3 =	sld [smem:$0x3FDB];
	s0 =	simm.s32 @p2 $0x1  }
0x17: {  	s4 =	simm.s32 $0x1BF5;
	[smem:$0x3FAF] =	sst s0  }
0x18: {  	s0 =	sld [smem:$0x3F92];
	_ =	swait.ge [sflag:s4], $0x0  }
0x19: {  	s7 =	sld [smem:$0x3F93]  }
0x1a: {  	s8 =	sadd.s32 $0xFFFFE003, lr  }
0x1b: {  	s9 =	sadd.s32 $0xFFFFFEF7, lr;
	s5 =	simm.s32 $0xFFFFFFFF;
	p2 =	slt.u32 s8, $0xFFFFF086  }
0x1c: {  	p1 =	slt.u32 s9, $0xF7A;
	s5 =	simm.s32 @!p2 $0x0  }
0x1d: {  	s5 =	simm.s32 @p1 $0x1;
	p0 =	seq.s32 s7, s2  }
0x1e: {  	s7 =	smul.u32 @!p0 $0xF7A, s2;
	p2 =	seq.s32 @!p0 s5, $0x0  }
0x1f: {  	s9 =	smul.u32 $0xF7A, s1;
	s8 =	simm.s32 @!p0 $0x1BF5;
	p2 =	por !p2, p0  }
0x20: {  	[sflag:s8] =	ssyncset.s32 @!p0 $0xFFFFF086;
	s6 =	sadd.s32 @!p0 s3, s7;
	s7 =	simm.s32 @!p0 $0x108  }
0x21: {  	s3 =	sadd.s32 s3, s9;
	s6 =	sadd.s32 @!p0 $0x88, s6;
	s7 =	simm.s32 @p2 $0x1082  }
0x22: {  	[simem:s7], [sflag:s8] =	dma.local @!p0 [hbm:s6], $0xF7A  }
0x23: {  	s9 =	sor.u32 $0xD0000000, s2;
	s6 =	simm.s32 $0x108;
	_ =	swait.ge @!p0 [sflag:s8], $0x0  }
0x24: {  	s3 =	sadd.s32 $0x88, s3;
	s6 =	simm.s32 @!p1 $0x1082;
	[sflag:s4] =	ssyncset.s32 $0xFFFFF086  }
0x25: {  	[simem:s6], [sflag:s4] =	dma.local [hbm:s3], $0xF7A  }
0x26: {  	[smem:$0x3F93] =	sst s1;
	(tag) =	ssettag s2;
	_ =	strace s9  }
0x27: {  	s1 =	sld [smem:$0x3FA3]  }
0x28: {  	s2 =	sld [smem:$0x3FA4]  }
0x29: {  	s4 =	sld [smem:$0x3FA6]  }
0x2a: {  	p0 =	seq.s32 s5, $0x0;
	s5 =	sld [smem:$0x3FA7]  }
0x2b: {  	s6 =	sld [smem:$0x3FA8]  }
0x2c: {  	s7 =	sld [smem:$0x3FA9]  }
0x2d: {  	s3 =	simm.s32 $0x108;
	s8 =	sld [smem:$0x3FAA]  }
0x2e: {  	s3 =	simm.s32 @!p0 $0x1082;
	s9 =	sld [smem:$0x3FAB]  }
0x2f: {  	lr =	sadd.s32 s0, s3;
	s0 =	sld [smem:$0x3FA2]  }
0x30: {  	s3 =	sld [smem:$0x3FA5]  }
0x31: {  	[smem:$0x3FAE] =	sst s10  }
0x32: {  	s10 =	sld [smem:$0x3FAC];
	_ =	sdelay $0x3  }
0x33: {  	p0 =	seq.s32 s10, $0x1;
	s10 =	sld [smem:$0x3FAE];
	_ =	sdelay $0x3  }
0x34: {  	[smem:$0x3FAE] =	sst s10  }
0x35: {  	s10 =	sld [smem:$0x3FAD];
	_ =	sdelay $0x3  }
0x36: {  	p1 =	seq.s32 s10, $0x1;
	s10 =	sld [smem:$0x3FAE];
	_ =	sdelay $0x3  }
0x37: {  	[smem:$0x3FAE] =	sst s10  }
0x38: {  	s10 =	sld [smem:$0x3FAF]  }
0x39: {  	_ = 	snop;
	(pc) =	sbr.ind lr, $3  }
0x3a: {  	_ = 	snop  }
0x3b: {  	_ = 	snop  }
0x3c: {  	p2 =	seq.s32 s10, $0x1;
	s10 =	sld [smem:$0x3FAE]  }
0x3d: {  	_ =	shalt  }
0x3e: {  	_ =	shalt  }
0x3f: {  	_ =	shalt  }
0x40: {  	_ =	shalt  }
0x41: {  	_ =	shalt  }
0x42: {  	_ =	shalt  }
0x43: {  	_ =	shalt  }
0x44: {  	_ =	shalt  }
0x45: {  	_ =	shalt  }
0x46: {  	_ =	shalt  }
0x47: {  	_ =	shalt  }
0x48: {  	_ =	shalt  }
0x49: {  	_ =	shalt  }
0x4a: {  	_ =	shalt  }
0x4b: {  	_ =	shalt  }
0x4c: {  	_ =	shalt  }
0x4d: {  	_ =	shalt  }
0x4e: {  	_ =	shalt  }
0x4f: {  	_ =	shalt  }
0x50: {  	_ =	shalt  }
0x51: {  	_ =	shalt  }
0x52: {  	_ =	shalt  }
0x53: {  	_ =	shalt  }
0x54: {  	_ =	shalt  }
0x55: {  	_ =	shalt  }
0x56: {  	_ =	shalt  }
0x57: {  	_ =	shalt  }
0x58: {  	_ =	shalt  }
0x59: {  	_ =	shalt  }
0x5a: {  	_ =	shalt  }
0x5b: {  	_ =	shalt  }
0x5c: {  	_ =	shalt  }
0x5d: {  	_ =	shalt  }
0x5e: {  	_ =	shalt  }
0x5f: {  	_ =	shalt  }
0x60: {  	_ =	shalt  }
0x61: {  	_ =	shalt  }
0x62: {  	_ =	shalt  }
0x63: {  	_ =	shalt  }
0x64: {  	_ =	shalt  }
0x65: {  	_ =	shalt  }
0x66: {  	_ =	shalt  }
0x67: {  	_ =	shalt  }
0x68: {  	_ =	shalt  }
0x69: {  	_ =	shalt  }
0x6a: {  	_ =	shalt  }
0x6b: {  	_ =	shalt  }
0x6c: {  	_ =	shalt  }
0x6d: {  	_ =	shalt  }
0x6e: {  	_ =	shalt  }
0x6f: {  	_ =	shalt  }
0x70: {  	_ =	shalt  }
0x71: {  	_ =	shalt  }
0x72: {  	_ =	shalt  }
0x73: {  	_ =	shalt  }
0x74: {  	_ =	shalt  }
0x75: {  	_ =	shalt  }
0x76: {  	_ =	shalt  }
0x77: {  	_ =	shalt  }
0x78: {  	_ =	shalt  }
0x79: {  	_ =	shalt  }
0x7a: {  	_ =	shalt  }
0x7b: {  	_ =	shalt  }
0x7c: {  	_ =	shalt  }
0x7d: {  	_ =	shalt  }
0x7e: {  	_ =	shalt  }
0x7f: {  	_ =	shalt  }
0x80: {  	_ =	shalt  }
0x81: {  	_ =	shalt  }
0x82: {  	_ =	shalt  }
0x83: {  	_ =	shalt  }
0x84: {  	_ =	shalt  }
0x85: {  	_ =	shalt  }
0x86: {  	_ =	shalt  }
0x87: {  	_ =	shalt  }
.Lfunc_end0:
.L_simem_size_0:
called_computation_lowered:
.L_overlay_start_0:
0x88: {  	s2 =	sld [smem:$0x3FD9]  }
0x89: {  	s3 =	sld [smem:$0x3FFE];
	_ =	sdelay $0x1  }
0x8a: {  	s1 =	srdreg.scid  }
0x8b: {  	s0 =	sand.u32 $0x1, s1  }
0x8c: {  	s17 =	sshll.u32 s0, $0xA;
	s2 =	sadd.s32 s3, s2  }
0x8d: {  	s2 =	sadd.s32 s2, s17  }
0x8e: {  	[smem:$0x3FBA] =	sst s2  }
0x8f: {  	_ = 	snop  }
0x90: {  	s2 =	sld [smem:$0x3FD0];
	(tm) =	ssettm $0x1  }
0x91: {  	s18 =	sld [smem:$0x3FFB];
	_ =	sdelay $0x3  }
0x92: {  	_ =	strace s18  }
0x93: {  	s3 =	sld [smem:$0x3FFC];
	_ =	sdelay $0x3  }
0x94: {  	_ =	strace s3  }
0x95: {  	s3 =	sld [smem:$0x3FFD];
	_ =	sdelay $0x3  }
0x96: {  	_ =	strace s3  }
0x97: {  	_ =	strace $0x8FFFFFFF  }
0x98: {  	s19 =	sld [smem:$0x3FDB];
	_ =	sdelay $0x1  }
0x99: {  	s4 =	simm.s32 $_scs_section_size  }
0x9a: {  	s5 =	simm.s32 $_size__tile_overlayer_lowered;
	s6 =	simm.s32 $_tile_overlayer_lowered  }
0x9b: {  	s22 =	simm.s32 $0x1BFF;
	s21 =	sshll.u32 s6, $0x1;
	s3 =	sadd.s32 s4, s19  }
0x9c: {  	s7 =	simm.s32 $0x0;
	s20 =	sshll.u32 s5, $0x1;
	s5 =	sadd.s32 s21, s3  }
0x9d: {  	[timem:s7], [sflag:s22] =	dma.local [hbm:s5], s20  }
0x9e: {  	_ =	swait.ge [sflag:s22], s20  }
0x9f: {  	s4 =	ssub.s32 $0x0, s20;
	[sflag:s22] =	ssyncset.done $0x0  }
0xa0: {  	[sflag:s22] =	ssyncadd.s32 s4;
	_ =	sdelay $0x1  }
0xa1: {  	s23 =	simm.s32 $0x1B8B  }
0xa2: {  	_ =	swait.ge [sflag:s23], $0x1  }
0xa3: {  	[sflag:s23] =	ssyncset.done $0x0  }
0xa4: {  	s25 =	simm.s32 $0x1B8E;
	s24 =	sld [smem:$0x3FFE];
	[sflag:s23] =	ssyncadd.s32 $0xFFFFFFFF  }
0xa5: {  	s26 =	simm.s32 $execute0_lowered;
	[smem:$0x3FD2] =	sst s25  }
0xa6: {  	s5 =	sshll.u32 s26, $0x1;
	_ =	strace $0x80000046;
	[dreg:$0x1] =	wrdreg $0xFFFFFFFF  }
0xa7: {  	s28 =	simm.s32 $_size_execute0_lowered;
	s3 =	sadd.s32 s3, s5;
	[dreg:$0x0] =	wrdreg $0x0  }
0xa8: {  	s5 =	sshll.u32 s28, $0x1;
	[dreg:$0x2] =	wrdreg s3  }
0xa9: {  	[dreg:$0x3] =	wrdreg s5  }
0xaa: {  	[dreg:$0x4] =	wrdreg $0xC0  }
0xab: {  	_ =	task [dreg:s7], $0x5FFFF  }
0xac: {  	[dreg:$0x1] =	wrdreg $0xFFFFFFFF  }
0xad: {  	[dreg:$0x0] =	wrdreg $0x60  }
0xae: {  	[dreg:$0x2] =	wrdreg s2  }
0xaf: {  	[dreg:$0x3] =	wrdreg s24  }
0xb0: {  	[dreg:$0x4] =	wrdreg $0x9  }
0xb1: {  	_ =	task.clear_ibuf [dreg:s7], $0x5FFFF;
	_ =	strace $0x90000046  }
0xb2: {  	s29 =	simm.s32 $0x9;
	_ =	strace $0x80000048  }
0xb3: {  	_ =	swait.ge [sflag:s29], $0x1  }
0xb4: {  	[sflag:s29] =	ssyncadd.s32 $0xFFFFFFFF  }
0xb5: {  	_ =	strace $0x90000048  }
0xb6: {  	_ =	sfence  }
0xb7: {  	s30 =	sld [smem:$0x0];
	_ =	sdelay $0x2  }
0xb8: {  	s31 =	sshll.u32 s1, $0xD;
	s1 =	sshrl.u32 s1, $0x2  }
0xb9: {  	s3 =	sand.u32 $0x4000, s31;
	s1 =	sadd.s32 s1, s30  }
0xba: {  	s0 =	sor.u32 s3, s0;
	s1 =	sshll.u32 s1, $0x11  }
0xbb: {  	s0 =	sor.u32 s1, s0  }
0xbc: {  	s0 =	sadd.s32 $0x8F2B, s0  }
0xbd: {  	[sflag:s0] =	ssyncadd.remote.s32 $0x1  }
0xbe: {  	_ =	sfence.sel $0xFFFF  }
0xbf: {  	[dreg:$0x0] =	wrdreg $0xFFFFFFFF;
	(pc) =	sbr.abs _section_cstart, $3  }
0xc0: {  	[dreg:$0x1] =	wrdreg $0xFFFFFFFF  }
0xc1: {  	_ =	task.clear_ibuf [dreg:s7], $0x2FFFF;
	_ =	strace $0x9FFFFFFF  }
0xc2: {  	(tm) =	ssettm $0x7FFFFFFF  }
0xc3: {  	_ =	shalt  }
tec
execute0_lowered:
.L_overlay_start_1:
0x0: {  	(tag) =	ssettag $0x1  }
0x1: {  	s2 =	rddreg [dreg:$0x0];
	s1 =	srdreg.scid  }
0x2: {  	s0 =	stileid.u32;
	s6 =	rddreg [dreg:$0x1];
	s3 =	simm.s32 $0x0  }
0x3: {  	s12 =	simm.s32 $0x1200;
	s13 =	simm.s32 $0x80;
	s14 =	simm.s32 $0x2400  }
0x4: {  	s15 =	simm.s32 $0xA400;
	s16 =	simm.s32 $0x6400;
	s17 =	simm.s32 $0xE400  }
0x5: {  	s18 =	simm.s32 $0x1;
	s19 =	simm.s32 $0x12480;
	s20 =	simm.s32 $0x0  }
0x6: {  	s5 =	sand.u32 $0x1, s1;
	s4 =	sshll.u32 s0, $0x1;
	[smem:$0x7FF] =	sst s3  }
0x7: {  	s1 =	rddreg [dreg:$0x2];
	s7 =	sor.u32 s5, s4;
	_ =	strace $0x80000047  }
0x8: {  	s4 =	sadd.s32 $0x62400, s6;
	s9 =	ssub.s32 $0x2, s5;
	s8 =	smul.u32 $0x240, s7  }
0x9: {  	s5 =	sadd.s32 $0xB400, s6;
	s7 =	sshll.u32 s7, $0x4;
	s10 =	sshrl.u32 s9, $0x1  }
0xa: {  	s11 =	sadd.s32 s7, s6;
	s9 =	ssub.s32 s9, s10;
	s8 =	sadd.s32 s8, s6  }
0xb: {  	s10 =	simm.s32 $0x12400;
	s9 =	smax.u32 s9, $0x1;
	s6 =	sadd.s32 $0x2400, s8  }
0xc: {  	v0 =	vimm.f32 $0.0e+00;
	s7 =	sadd.s32 $0x6C00, s8;
	s8 =	sadd.s32 $0xB600, s11;
	s11 =	simm.s32 $0x2  }
.LBB2_1:
0xd: {  	[tilespmem:s10], [sflag:$0x2] =	stream.linear.gather [hbm4b:s5+s3], $0x80, $0x38;
	[tilespmem:$0x12500] =	vst v63  }
0xe: {  	_ =	swait.ge [sflag:s11], $0x80  }
0xf: {  	[sflag:s11] =	ssyncset.done $0x0  }
0x10: {  	[sflag:s11] =	ssyncadd.s32 $0xFFFFFF80  }
0x11: {  	[tilespmem:s3], [sflag:$0x2] =	stream.linear.gather [hbm4b:s6+s3], $0x1200, $0x38;
	[tilespmem:$0x12500] =	vst v63  }
0x12: {  	_ =	swait.ge [sflag:s11], $0x1200  }
0x13: {  	[sflag:s11] =	ssyncset.done $0x0  }
0x14: {  	[sflag:s11] =	ssyncadd.s32 $0xFFFFEE00  }
0x15: {  	[tilespmem:s12], [sflag:$0x2] =	stream.linear.gather [hbm4b:s7+s3], $0x1200, $0x38;
	[tilespmem:$0x12500] =	vst v63  }
0x16: {  	_ =	swait.ge [sflag:s11], $0x1200  }
0x17: {  	[sflag:s11] =	ssyncset.done $0x0  }
0x18: {  	[sflag:s11] =	ssyncadd.s32 $0xFFFFEE00  }
0x19: {  	[tilespmem:$0x12480] =	vst v0  }
0x1a: {  	v1 =	vld [tilespmem:$0x12400];
	[tilespmem:$0x12490] =	vst v0  }
0x1b: {  	v2 =	vld [tilespmem:$0x12410];
	[tilespmem:$0x124A0] =	vst v0  }
0x1c: {  	v3 =	vld [tilespmem:$0x12420];
	[tilespmem:$0x124B0] =	vst v0  }
0x1d: {  	v4 =	vld [tilespmem:$0x12430];
	[tilespmem:$0x124C0] =	vst v0  }
0x1e: {  	v5 =	vld [tilespmem:$0x12440];
	[tilespmem:$0x124D0] =	vst v0  }
0x1f: {  	v6 =	vld [tilespmem:$0x12450];
	[tilespmem:$0x124E0] =	vst v0  }
0x20: {  	v7 =	vld [tilespmem:$0x12460];
	[tilespmem:$0x124F0] =	vst v0  }
0x21: {  	v8 =	vld [tilespmem:$0x12470];
	[tilespmem:s14], [sflag:$0x1] =	stream.indirect.gather [hbm4b:s2+s13], $0x80, s3, s13, $0xb8  }
0x22: {  	s21 =	simm.s32 $0x0  }
0x23: {  	[tilespmem:s15], [sflag:$0x1] =	stream.indirect.gather [hbm4b:s4+s13], $0x80, s12, s13, $0xb8;
	[tilespmem:$0x12500] =	vst v63  }
.LBB2_2:
0x24: {  	s22 =	sshll.u32 s21, $0x8  }
0x25: {  	s23 =	sor.u32 $0x80, s22  }
0x26: {  	[tilespmem:s16], [sflag:$0x1] =	stream.indirect.gather [hbm4b:s2+s13], $0x80, s23, s13, $0xb8;
	[tilespmem:$0x12500] =	vst v63  }
0x27: {  	s31 =	sadd.s32 $0x1280, s22  }
0x28: {  	[tilespmem:s17], [sflag:$0x1] =	stream.indirect.gather [hbm4b:s4+s13], $0x80, s31, s13, $0xb8;
	[tilespmem:$0x12500] =	vst v63  }
0x29: {  	_ =	swait.ge [sflag:s18], $0x4000  }
0x2a: {  	[sflag:s18] =	ssyncset.done $0x0  }
0x2b: {  	[sflag:s18] =	ssyncadd.s32 $0xFFFFC000  }
0x2c: {  	_ =	swait.ge [sflag:s18], $0x4000  }
0x2d: {  	[sflag:s18] =	ssyncset.done $0x0  }
0x2e: {  	s24 =	simm.s32 $0x0;
	[sflag:s18] =	ssyncadd.s32 $0xFFFFC000  }
0x2f: {  	v9 =	vld [tilespmem:s24+$0x2470]  }
0x30: {  	v10 =	vld [tilespmem:s24+$0xA470]  }
0x31: {  	v11 =	vld [tilespmem:s24+$0x2400]  }
0x32: {  	v12 =	vld [tilespmem:s24+$0xA400]  }
0x33: {  	v13 =	vld [tilespmem:s24+$0x2410]  }
0x34: {  	v14 =	vld [tilespmem:s24+$0xA410]  }
0x35: {  	v15 =	vld [tilespmem:s24+$0x2420]  }
0x36: {  	v20 =	vld [tilespmem:s24+$0x2440]  }
0x37: {  	v23 =	vld [tilespmem:s24+$0xA440];
	v9 =	vsub.f32 v10, v9  }
0x38: {  	v10 =	vld [tilespmem:s24+$0xA420]  }
0x39: {  	v16 =	vld [tilespmem:s24+$0x2430];
	v11 =	vsub.f32 v11, v12;
	v9 =	vadd.f32 v9, v8  }
0x3a: {  	v12 =	vld [tilespmem:s24+$0xA430];
	v13 =	vsub.f32 v13, v14  }
0x3b: {  	v14 =	vimm.f32 $0.0e+00;
	v11 =	vadd.f32 v11, v1;
	v17 =	vmul.f32 $9.999999770e-03, v9  }
0x3c: {  	v28 =	vsub.f32 v23, v20;
	v21 =	vadd.f32 v13, v2;
	vm0 =	vgt.f32 v9, $0.0e+00  }
0x3d: {  	v13 =	vmul.f32 $9.999999770e-03, v11;
	v10 =	vsub.f32 v15, v10;
	v9 =	vsel vm0, v9, v17  }
0x3e: {  	v18 =	vld [tilespmem:s24+$0x2450];
	v26 =	vmul.f32 $9.999999770e-03, v21;
	v15 =	vimm.f32 $0.0e+00;
	v9 =	vadd.f32 v9, v14  }
0x3f: {  	v24 =	vld [tilespmem:s24+$0xA450];
	vm0 =	vgt.f32 v11, $0.0e+00;
	v19 =	vadd.f32 v10, v3;
	v10 =	vsub.f32 v16, v12  }
0x40: {  	v23 =	vld [tilespmem:s24+$0xA460];
	v27 =	vsel vm0, v11, v13;
	vm0 =	vgt.f32 v21, $0.0e+00;
	v16 =	vimm.f32 $0.0e+00  }
0x41: {  	s23 =	simm.s32 $0x80;
	v17 =	vld [tilespmem:s24+$0x2460];
	v13 =	vimm.f32 $0.0e+00;
	v12 =	vimm.f32 $0.0e+00;
	v11 =	vimm.f32 $0.0e+00  }
0x42: {  	v20 =	vld [tilespmem:s23+$0x2470];
	s24 =	simm.s32 $0x400;
	v25 =	vmul.f32 $9.999999770e-03, v19;
	v22 =	vadd.f32 v10, v4;
	v10 =	vimm.f32 $0.0e+00  }
.LBB2_3:
0x43: {  	p0 =	sne.s32 s24, $0xFE00;
	v29 =	vld [tilespmem:s23+$0xA470];
	v14 =	vadd.f32 v27, v14;
	v21 =	vsel vm0, v21, v26;
	vm0 =	vgt.f32 v19, $0.0e+00  }
0x44: {  	v26 =	vld [tilespmem:s23+$0x2400];
	v27 =	vmul.f32 $9.999999770e-03, v22;
	v28 =	vadd.f32 v28, v5;
	v18 =	vsub.f32 v24, v18  }
0x45: {  	v16 =	vadd.f32 v21, v16;
	v19 =	vsel vm0, v19, v25;
	vm0 =	vgt.f32 v22, $0.0e+00;
	v24 =	vld [tilespmem:s23+$0xA400]  }
0x46: {  	v21 =	vld [tilespmem:s23+$0x2410];
	v25 =	vmul.f32 $9.999999770e-03, v28;
	v18 =	vadd.f32 v18, v6;
	v17 =	vsub.f32 v23, v17  }
0x47: {  	v15 =	vadd.f32 v19, v15;
	v19 =	vsel vm0, v22, v27;
	vm0 =	vgt.f32 v28, $0.0e+00;
	v23 =	vld [tilespmem:s23+$0xA410]  }
0x48: {  	v22 =	vld [tilespmem:s23+$0x2420];
	v20 =	vsub.f32 v29, v20;
	v27 =	vmul.f32 $9.999999770e-03, v18;
	v17 =	vadd.f32 v17, v7  }
0x49: {  	v13 =	vadd.f32 v19, v13;
	v19 =	vsel vm0, v28, v25;
	vm0 =	vgt.f32 v18, $0.0e+00;
	v29 =	vld [tilespmem:s23+$0xA420]  }
0x4a: {  	v24 =	vsub.f32 v26, v24;
	v25 =	vld [tilespmem:s23+$0x2430];
	v20 =	vadd.f32 v20, v8;
	v26 =	vmul.f32 $9.999999770e-03, v17  }
0x4b: {  	v12 =	vadd.f32 v19, v12;
	v18 =	vsel vm0, v18, v27;
	vm0 =	vgt.f32 v17, $0.0e+00;
	v28 =	vld [tilespmem:s23+$0xA430]  }
0x4c: {  	v27 =	vadd.f32 v24, v1;
	v19 =	vsub.f32 v21, v23;
	v30 =	vld [tilespmem:s23+$0x2440];
	v23 =	vmul.f32 $9.999999770e-03, v20  }
0x4d: {  	v11 =	vadd.f32 v18, v11;
	vm1 =	vgt.f32 v20, $0.0e+00;
	v32 =	vsel vm0, v17, v26;
	v31 =	vld [tilespmem:s23+$0xA440]  }
.Ltmp0:
0x4e: {  	v21 =	vadd.f32 v19, v2;
	v17 =	vsub.f32 v22, v29;
	v18 =	vld [tilespmem:s23+$0x2450];
	v19 =	vsel vm1, v20, v23;
	(pc) =	sbr.rel @p0 .LBB2_3-.Ltmp0, $4  }
0x4f: {  	vm0 =	vgt.f32 v27, $0.0e+00;
	v20 =	vmul.f32 $9.999999770e-03, v27;
	v24 =	vld [tilespmem:s23+$0xA450];
	v9 =	vadd.f32 v19, v9  }
0x50: {  	v26 =	vmul.f32 $9.999999770e-03, v21;
	v19 =	vadd.f32 v17, v3;
	v22 =	vsub.f32 v25, v28;
	v17 =	vld [tilespmem:s23+$0x2460]  }
0x51: {  	v10 =	vadd.f32 v32, v10;
	v27 =	vsel vm0, v27, v20;
	vm0 =	vgt.f32 v21, $0.0e+00;
	v23 =	vld [tilespmem:s23+$0xA460];
	s23 =	sshra.s32 s24, $0x2  }
0x52: {  	s24 =	sadd.s32 $0x200, s24;
	v20 =	vld [tilespmem:s23+$0x2470];
	v25 =	vmul.f32 $9.999999770e-03, v19;
	v22 =	vadd.f32 v22, v4;
	v28 =	vsub.f32 v31, v30  }
0x53: {  	v29 =	vld [tilespmem:s23+$0xA470]  }
0x54: {  	v14 =	vadd.f32 v27, v14;
	v21 =	vsel vm0, v21, v26;
	v26 =	vld [tilespmem:s23+$0x2400]  }
0x55: {  	vm0 =	vgt.f32 v19, $0.0e+00;
	v18 =	vsub.f32 v24, v18;
	v27 =	vadd.f32 v28, v5;
	v28 =	vld [tilespmem:s23+$0xA400]  }
0x56: {  	v24 =	vmul.f32 $9.999999770e-03, v22;
	v16 =	vadd.f32 v21, v16;
	v19 =	vsel vm0, v19, v25;
	v21 =	vld [tilespmem:s23+$0x2410]  }
0x57: {  	vm0 =	vgt.f32 v22, $0.0e+00;
	v15 =	vadd.f32 v19, v15;
	v17 =	vsub.f32 v23, v17;
	v23 =	vld [tilespmem:s23+$0xA410]  }
0x58: {  	v18 =	vadd.f32 v18, v6;
	v25 =	vmul.f32 $9.999999770e-03, v27;
	v19 =	vsel vm0, v22, v24;
	v22 =	vld [tilespmem:s23+$0x2420]  }
0x59: {  	vm0 =	vgt.f32 v27, $0.0e+00;
	v13 =	vadd.f32 v19, v13;
	v20 =	vsub.f32 v29, v20;
	v29 =	vld [tilespmem:s23+$0xA420]  }
0x5a: {  	v24 =	vmul.f32 $9.999999770e-03, v18;
	v19 =	vsel vm0, v27, v25;
	v25 =	vsub.f32 v26, v28;
	v26 =	vld [tilespmem:s23+$0x2430]  }
0x5b: {  	v17 =	vadd.f32 v17, v7;
	vm0 =	vgt.f32 v18, $0.0e+00;
	v28 =	vld [tilespmem:s23+$0xA430]  }
0x5c: {  	v12 =	vadd.f32 v19, v12;
	v20 =	vadd.f32 v20, v8;
	v18 =	vsel vm0, v18, v24;
	v24 =	vld [tilespmem:s23+$0x2440]  }
0x5d: {  	v27 =	vmul.f32 $9.999999770e-03, v17;
	vm1 =	vgt.f32 v17, $0.0e+00;
	v19 =	vadd.f32 v25, v1;
	v25 =	vld [tilespmem:s23+$0xA440]  }
0x5e: {  	v21 =	vsub.f32 v21, v23;
	v11 =	vadd.f32 v18, v11;
	v23 =	vmul.f32 $9.999999770e-03, v20  }
0x5f: {  	vm0 =	vgt.f32 v20, $0.0e+00;
	v17 =	vsel vm1, v17, v27;
	v27 =	vld [tilespmem:s23+$0xA450];
	v18 =	vsub.f32 v22, v29  }
0x60: {  	v22 =	vld [tilespmem:s23+$0x2450];
	v29 =	vmul.f32 $9.999999770e-03, v19;
	v21 =	vadd.f32 v21, v2;
	v10 =	vadd.f32 v17, v10  }
0x61: {  	vm1 =	vgt.f32 v19, $0.0e+00;
	v17 =	vld [tilespmem:s23+$0xA460];
	v26 =	vsub.f32 v26, v28;
	v18 =	vadd.f32 v18, v3  }
0x62: {  	v28 =	vld [tilespmem:s23+$0x2460];
	v19 =	vsel vm1, v19, v29;
	v29 =	vmul.f32 $9.999999770e-03, v21;
	v24 =	vsub.f32 v25, v24  }
0x63: {  	vm1 =	vgt.f32 v21, $0.0e+00;
	v26 =	vadd.f32 v26, v4;
	v14 =	vadd.f32 v19, v14  }
0x64: {  	v25 =	vmul.f32 $9.999999770e-03, v18;
	v19 =	vsel vm1, v21, v29;
	vm1 =	vgt.f32 v18, $0.0e+00  }
0x65: {  	v21 =	vmul.f32 $9.999999770e-03, v26;
	v24 =	vadd.f32 v24, v5;
	v22 =	vsub.f32 v27, v22;
	v27 =	vld [tilespmem:$0x12480]  }
0x66: {  	v16 =	vadd.f32 v19, v16;
	v19 =	vld [tilespmem:$0x12490];
	v18 =	vsel vm1, v18, v25;
	vm1 =	vgt.f32 v26, $0.0e+00  }
0x67: {  	v17 =	vsub.f32 v17, v28;
	v28 =	vld [tilespmem:$0x124A0];
	v25 =	vmul.f32 $9.999999770e-03, v24;
	v22 =	vadd.f32 v22, v6  }
0x68: {  	v15 =	vadd.f32 v18, v15;
	v18 =	vsel vm1, v26, v21;
	vm1 =	vgt.f32 v24, $0.0e+00;
	v21 =	vld [tilespmem:$0x124B0]  }
0x69: {  	v17 =	vadd.f32 v17, v7;
	v13 =	vadd.f32 v18, v13;
	v18 =	vld [tilespmem:$0x124C0];
	v26 =	vmul.f32 $9.999999770e-03, v22  }
0x6a: {  	v24 =	vsel vm1, v24, v25;
	vm1 =	vgt.f32 v22, $0.0e+00;
	v25 =	vld [tilespmem:$0x124D0];
	v14 =	vadd.f32 v27, v14  }
0x6b: {  	v27 =	vmul.f32 $9.999999770e-03, v17;
	v12 =	vadd.f32 v24, v12;
	v16 =	vadd.f32 v19, v16;
	v19 =	vld [tilespmem:$0x124E0]  }
0x6c: {  	v22 =	vsel vm1, v22, v26;
	vm1 =	vgt.f32 v17, $0.0e+00;
	[tilespmem:$0x12480] =	vst v14;
	v14 =	vadd.f32 v28, v15;
	v15 =	vld [tilespmem:$0x124F0]  }
0x6d: {  	v11 =	vadd.f32 v22, v11;
	v17 =	vsel vm1, v17, v27;
	[tilespmem:$0x12490] =	vst v16;
	v13 =	vadd.f32 v21, v13  }
0x6e: {  	v16 =	vsel vm0, v20, v23;
	v10 =	vadd.f32 v17, v10;
	v12 =	vadd.f32 v18, v12;
	[tilespmem:$0x124A0] =	vst v14  }
0x6f: {  	v9 =	vadd.f32 v16, v9;
	[tilespmem:$0x124B0] =	vst v13;
	v11 =	vadd.f32 v25, v11  }
0x70: {  	[tilespmem:$0x124C0] =	vst v12;
	v10 =	vadd.f32 v19, v10  }
0x71: {  	[tilespmem:$0x124D0] =	vst v11;
	v9 =	vadd.f32 v15, v9  }
0x72: {  	p0 =	seq.s32 s21, $0x11;
	[tilespmem:$0x124E0] =	vst v10  }
0x73: {  	s24 =	simm.s32 @!p0 $0x80;
	s25 =	simm.s32 @!p0 $0x2400;
	s23 =	sadd.s32 @!p0 $0x100, s22;
	[tilespmem:$0x124F0] =	vst v9  }
0x74: {  	[tilespmem:s25], [sflag:$0x1] =	stream.indirect.gather @!p0 [hbm4b:s2+s24], $0x80, s23, s24, $0xb8;
	[tilespmem:$0x12500] =	vst v63  }
0x75: {  	s22 =	sadd.s32 @!p0 $0x1300, s22;
	s23 =	simm.s32 @!p0 $0xA400  }
0x76: {  	[tilespmem:s23], [sflag:$0x1] =	stream.indirect.gather @!p0 [hbm4b:s4+s24], $0x80, s22, s24, $0xb8;
	[tilespmem:$0x12500] =	vst v63  }
0x77: {  	_ =	swait.ge [sflag:s18], $0x4000  }
0x78: {  	[sflag:s18] =	ssyncset.done $0x0  }
0x79: {  	[sflag:s18] =	ssyncadd.s32 $0xFFFFC000  }
0x7a: {  	_ =	swait.ge [sflag:s18], $0x4000  }
0x7b: {  	[sflag:s18] =	ssyncset.done $0x0  }
0x7c: {  	s31 =	simm.s32 $0x0;
	[sflag:s18] =	ssyncadd.s32 $0xFFFFC000  }
0x7d: {  	v9 =	vld [tilespmem:s31+$0x6470]  }
0x7e: {  	v10 =	vld [tilespmem:s31+$0xE470]  }
0x7f: {  	v11 =	vld [tilespmem:s31+$0x6400]  }
0x80: {  	v12 =	vld [tilespmem:s31+$0xE400]  }
0x81: {  	v13 =	vld [tilespmem:s31+$0x6410]  }
0x82: {  	v14 =	vld [tilespmem:s31+$0xE410]  }
0x83: {  	v15 =	vld [tilespmem:s31+$0x6420]  }
0x84: {  	v20 =	vld [tilespmem:s31+$0x6440]  }
0x85: {  	v23 =	vld [tilespmem:s31+$0xE440];
	v9 =	vsub.f32 v10, v9  }
0x86: {  	v10 =	vld [tilespmem:s31+$0xE420]  }
0x87: {  	v16 =	vld [tilespmem:s31+$0x6430];
	v11 =	vsub.f32 v11, v12;
	v9 =	vadd.f32 v9, v8  }
0x88: {  	v12 =	vld [tilespmem:s31+$0xE430];
	v13 =	vsub.f32 v13, v14  }
0x89: {  	v14 =	vimm.f32 $0.0e+00;
	v11 =	vadd.f32 v11, v1;
	v17 =	vmul.f32 $9.999999770e-03, v9  }
0x8a: {  	v28 =	vsub.f32 v23, v20;
	v21 =	vadd.f32 v13, v2;
	vm0 =	vgt.f32 v9, $0.0e+00  }
0x8b: {  	v13 =	vmul.f32 $9.999999770e-03, v11;
	v10 =	vsub.f32 v15, v10;
	v9 =	vsel vm0, v9, v17  }
0x8c: {  	v18 =	vld [tilespmem:s31+$0x6450];
	v26 =	vmul.f32 $9.999999770e-03, v21;
	v15 =	vimm.f32 $0.0e+00;
	v9 =	vadd.f32 v9, v14  }
0x8d: {  	v24 =	vld [tilespmem:s31+$0xE450];
	vm0 =	vgt.f32 v11, $0.0e+00;
	v19 =	vadd.f32 v10, v3;
	v10 =	vsub.f32 v16, v12  }
0x8e: {  	v23 =	vld [tilespmem:s31+$0xE460];
	v27 =	vsel vm0, v11, v13;
	vm0 =	vgt.f32 v21, $0.0e+00;
	v16 =	vimm.f32 $0.0e+00  }
0x8f: {  	s22 =	simm.s32 $0x80;
	v17 =	vld [tilespmem:s31+$0x6460];
	v13 =	vimm.f32 $0.0e+00;
	v12 =	vimm.f32 $0.0e+00;
	v11 =	vimm.f32 $0.0e+00  }
0x90: {  	s23 =	simm.s32 $0x400;
	v20 =	vld [tilespmem:s22+$0x6470];
	v25 =	vmul.f32 $9.999999770e-03, v19;
	v22 =	vadd.f32 v10, v4;
	v10 =	vimm.f32 $0.0e+00  }
.LBB2_5:
0x91: {  	p0 =	sne.s32 s23, $0xFE00;
	v29 =	vld [tilespmem:s22+$0xE470];
	v14 =	vadd.f32 v27, v14;
	v21 =	vsel vm0, v21, v26;
	vm0 =	vgt.f32 v19, $0.0e+00  }
0x92: {  	v26 =	vld [tilespmem:s22+$0x6400];
	v27 =	vmul.f32 $9.999999770e-03, v22;
	v28 =	vadd.f32 v28, v5;
	v18 =	vsub.f32 v24, v18  }
0x93: {  	v16 =	vadd.f32 v21, v16;
	v19 =	vsel vm0, v19, v25;
	vm0 =	vgt.f32 v22, $0.0e+00;
	v24 =	vld [tilespmem:s22+$0xE400]  }
0x94: {  	v21 =	vld [tilespmem:s22+$0x6410];
	v25 =	vmul.f32 $9.999999770e-03, v28;
	v18 =	vadd.f32 v18, v6;
	v17 =	vsub.f32 v23, v17  }
0x95: {  	v15 =	vadd.f32 v19, v15;
	v19 =	vsel vm0, v22, v27;
	vm0 =	vgt.f32 v28, $0.0e+00;
	v23 =	vld [tilespmem:s22+$0xE410]  }
0x96: {  	v22 =	vld [tilespmem:s22+$0x6420];
	v20 =	vsub.f32 v29, v20;
	v27 =	vmul.f32 $9.999999770e-03, v18;
	v17 =	vadd.f32 v17, v7  }
0x97: {  	v13 =	vadd.f32 v19, v13;
	v19 =	vsel vm0, v28, v25;
	vm0 =	vgt.f32 v18, $0.0e+00;
	v29 =	vld [tilespmem:s22+$0xE420]  }
0x98: {  	v24 =	vsub.f32 v26, v24;
	v25 =	vld [tilespmem:s22+$0x6430];
	v20 =	vadd.f32 v20, v8;
	v26 =	vmul.f32 $9.999999770e-03, v17  }
0x99: {  	v12 =	vadd.f32 v19, v12;
	v18 =	vsel vm0, v18, v27;
	vm0 =	vgt.f32 v17, $0.0e+00;
	v28 =	vld [tilespmem:s22+$0xE430]  }
0x9a: {  	v27 =	vadd.f32 v24, v1;
	v19 =	vsub.f32 v21, v23;
	v30 =	vld [tilespmem:s22+$0x6440];
	v23 =	vmul.f32 $9.999999770e-03, v20  }
0x9b: {  	v11 =	vadd.f32 v18, v11;
	vm1 =	vgt.f32 v20, $0.0e+00;
	v32 =	vsel vm0, v17, v26;
	v31 =	vld [tilespmem:s22+$0xE440]  }
.Ltmp1:
0x9c: {  	v21 =	vadd.f32 v19, v2;
	v17 =	vsub.f32 v22, v29;
	v18 =	vld [tilespmem:s22+$0x6450];
	v19 =	vsel vm1, v20, v23;
	(pc) =	sbr.rel @p0 .LBB2_5-.Ltmp1, $4  }
0x9d: {  	vm0 =	vgt.f32 v27, $0.0e+00;
	v20 =	vmul.f32 $9.999999770e-03, v27;
	v24 =	vld [tilespmem:s22+$0xE450];
	v9 =	vadd.f32 v19, v9  }
0x9e: {  	v26 =	vmul.f32 $9.999999770e-03, v21;
	v19 =	vadd.f32 v17, v3;
	v22 =	vsub.f32 v25, v28;
	v17 =	vld [tilespmem:s22+$0x6460]  }
0x9f: {  	v10 =	vadd.f32 v32, v10;
	v27 =	vsel vm0, v27, v20;
	vm0 =	vgt.f32 v21, $0.0e+00;
	v23 =	vld [tilespmem:s22+$0xE460];
	s22 =	sshra.s32 s23, $0x2  }
0xa0: {  	s23 =	sadd.s32 $0x200, s23;
	v20 =	vld [tilespmem:s22+$0x6470];
	v25 =	vmul.f32 $9.999999770e-03, v19;
	v22 =	vadd.f32 v22, v4;
	v28 =	vsub.f32 v31, v30  }
0xa1: {  	v29 =	vld [tilespmem:s22+$0xE470]  }
0xa2: {  	v52 =	vld [tilespmem:s22+$0x6400]  }
0xa3: {  	v55 =	vld [tilespmem:s22+$0xE400]  }
0xa4: {  	v56 =	vld [tilespmem:s22+$0x6410]  }
0xa5: {  	v58 =	vld [tilespmem:s22+$0xE410]  }
0xa6: {  	v60 =	vld [tilespmem:s22+$0x6420]  }
0xa7: {  	v62 =	vld [tilespmem:s22+$0xE420]  }
0xa8: {  	v33 =	vld [tilespmem:s22+$0x6430]  }
0xa9: {  	v14 =	vadd.f32 v27, v14;
	v35 =	vld [tilespmem:s22+$0xE430]  }
0xaa: {  	v21 =	vsel vm0, v21, v26;
	vm4 =	vgt.f32 v19, $0.0e+00;
	v37 =	vld [tilespmem:s22+$0x6440];
	v18 =	vsub.f32 v24, v18  }
0xab: {  	v39 =	vld [tilespmem:s22+$0xE440];
	v53 =	vmul.f32 $9.999999770e-03, v22;
	v54 =	vadd.f32 v28, v5;
	v19 =	vsel vm4, v19, v25  }
0xac: {  	v41 =	vld [tilespmem:s22+$0x6450];
	v16 =	vadd.f32 v21, v16;
	vm5 =	vgt.f32 v22, $0.0e+00;
	v15 =	vadd.f32 v19, v15  }
0xad: {  	v43 =	vld [tilespmem:s22+$0xE450];
	v18 =	vadd.f32 v18, v6;
	v17 =	vsub.f32 v23, v17;
	v59 =	vsel vm5, v22, v53  }
0xae: {  	v57 =	vmul.f32 $9.999999770e-03, v54;
	v13 =	vadd.f32 v59, v13;
	v20 =	vsub.f32 v29, v20  }
0xaf: {  	vm6 =	vgt.f32 v54, $0.0e+00;
	v17 =	vadd.f32 v17, v7;
	v32 =	vsub.f32 v52, v55  }
0xb0: {  	v61 =	vmul.f32 $9.999999770e-03, v18;
	v21 =	vsub.f32 v56, v58;
	v40 =	vsub.f32 v60, v62  }
0xb1: {  	v63 =	vsel vm6, v54, v57;
	v26 =	vsub.f32 v33, v35;
	v24 =	vsub.f32 v39, v37  }
0xb2: {  	vm7 =	vgt.f32 v18, $0.0e+00;
	v22 =	vsub.f32 v43, v41;
	v12 =	vadd.f32 v63, v12  }
0xb3: {  	v20 =	vadd.f32 v20, v8;
	v34 =	vmul.f32 $9.999999770e-03, v17;
	v36 =	vadd.f32 v32, v1  }
0xb4: {  	v18 =	vsel vm7, v18, v61;
	v21 =	vadd.f32 v21, v2;
	v26 =	vadd.f32 v26, v4  }
0xb5: {  	vm1 =	vgt.f32 v17, $0.0e+00;
	v24 =	vadd.f32 v24, v5;
	v22 =	vadd.f32 v22, v6  }
0xb6: {  	v44 =	vld [tilespmem:s22+$0x6460];
	v11 =	vadd.f32 v18, v11;
	v18 =	vadd.f32 v40, v3;
	v38 =	vmul.f32 $9.999999770e-03, v20  }
0xb7: {  	v46 =	vld [tilespmem:s22+$0xE460];
	vm8 =	vgt.f32 v20, $0.0e+00;
	v42 =	vmul.f32 $9.999999770e-03, v36;
	v17 =	vsel vm1, v17, v34  }
0xb8: {  	vm9 =	vgt.f32 v36, $0.0e+00;
	v45 =	vmul.f32 $9.999999770e-03, v21;
	vm10 =	vgt.f32 v21, $0.0e+00  }
0xb9: {  	v49 =	vmul.f32 $9.999999770e-03, v26;
	vm12 =	vgt.f32 v26, $0.0e+00;
	v52 =	vmul.f32 $9.999999770e-03, v24  }
0xba: {  	v50 =	vld [tilespmem:$0x12480];
	vm13 =	vgt.f32 v24, $0.0e+00;
	v56 =	vmul.f32 $9.999999770e-03, v22;
	vm14 =	vgt.f32 v22, $0.0e+00  }
0xbb: {  	v51 =	vld [tilespmem:$0x12490];
	v10 =	vadd.f32 v17, v10;
	v47 =	vmul.f32 $9.999999770e-03, v18;
	vm11 =	vgt.f32 v18, $0.0e+00  }
0xbc: {  	v55 =	vld [tilespmem:$0x124B0];
	v17 =	vsub.f32 v46, v44;
	v19 =	vsel vm9, v36, v42;
	v48 =	vsel vm10, v21, v45  }
0xbd: {  	v57 =	vld [tilespmem:$0x124C0];
	v54 =	vsel vm12, v26, v49;
	v24 =	vsel vm13, v24, v52;
	v14 =	vadd.f32 v19, v14  }
0xbe: {  	v58 =	vld [tilespmem:$0x124D0];
	v22 =	vsel vm14, v22, v56;
	v16 =	vadd.f32 v48, v16;
	v17 =	vadd.f32 v17, v7  }
0xbf: {  	v62 =	vld [tilespmem:$0x124F0];
	v63 =	vsel vm8, v20, v38;
	v13 =	vadd.f32 v54, v13;
	v14 =	vadd.f32 v50, v14  }
0xc0: {  	v53 =	vld [tilespmem:$0x124A0];
	v18 =	vsel vm11, v18, v47;
	v12 =	vadd.f32 v24, v12;
	v16 =	vadd.f32 v51, v16  }
0xc1: {  	v60 =	vld [tilespmem:$0x124E0];
	v11 =	vadd.f32 v22, v11;
	v59 =	vmul.f32 $9.999999770e-03, v17;
	v13 =	vadd.f32 v55, v13;
	[tilespmem:$0x12480] =	vst v14  }
0xc2: {  	s21 =	sadd.s32 $0x1, s21;
	v9 =	vadd.f32 v63, v9;
	vm15 =	vgt.f32 v17, $0.0e+00;
	v12 =	vadd.f32 v57, v12;
	[tilespmem:$0x12490] =	vst v16  }
0xc3: {  	p0 =	sne.s32 s21, $0x12;
	v15 =	vadd.f32 v18, v15;
	v11 =	vadd.f32 v58, v11;
	v17 =	vsel vm15, v17, v59;
	[tilespmem:$0x124B0] =	vst v13  }
.Ltmp2:
0xc4: {  	v9 =	vadd.f32 v62, v9;
	[tilespmem:$0x124C0] =	vst v12;
	v10 =	vadd.f32 v17, v10;
	(pc) =	sbr.rel @p0 .LBB2_2-.Ltmp2, $4  }
0xc5: {  	v61 =	vadd.f32 v53, v15;
	[tilespmem:$0x124D0] =	vst v11  }
0xc6: {  	[tilespmem:$0x124F0] =	vst v9;
	v10 =	vadd.f32 v60, v10  }
0xc7: {  	[tilespmem:$0x124A0] =	vst v61  }
0xc8: {  	[tilespmem:$0x124E0] =	vst v10  }
0xc9: {  	s20 =	sadd.s32 $0x1, s20  }
0xca: {  	p0 =	sne.s32 s20, s9  }
.Ltmp3:
0xcb: {  	_ = 	snop;
	(pc) =	sbr.rel @p0 .LBB2_1-.Ltmp3, $4  }
0xcc: {  	[hbm4b:s8+s3] =	stream.linear.scatter [tilespmem:s19], [sflag:$0x2], $0x80, $0x38;
	[tilespmem:$0x12500] =	vst v63  }
0xcd: {  	_ =	swait.ge [sflag:s11], $0x80  }
0xce: {  	[sflag:s11] =	ssyncset.done $0x0  }
0xcf: {  	[sflag:s11] =	ssyncadd.s32 $0xFFFFFF80  }
0xd0: {  	_ =	sfence.sel $0x180000  }
0xd1: {  	[bflag:$0x0] =	sbarrier.arrive $0xFFFF  }
0xd2: {  	p0 =	sne.s32 s0, $0x0;
	_ =	strace $0x90000047  }
0xd3: {  	s0 =	sadd.s32 @!p0 $0x100000, s1;
	[bflag:$0x2] =	sbarrier.arrive $0xFFFF  }
0xd4: {  	[sflag:s0] =	ssyncadd.tile.s32 @!p0 $0x1;
	_ =	shalt  }
.Lfunc_end2:
_tile_overlayer_lowered:
.L_overlay_start_2:
0xd5: {  	(tag) =	ssettag $0x2  }
0xd6: {  	s0 =	rddreg [dreg:$0x0];
	s2 =	stileid.u32  }
0xd7: {  	s1 =	rddreg [dreg:$0x1];
	p0 =	sne.s32 s2, $0x0  }
0xd8: {  	s3 =	rddreg [dreg:$0x2];
	[bflag:$0x3] =	sbarrier.arrive $0xFFFF;
	s2 =	simm.s32 @!p0 $0x1C02  }
0xd9: {  	[timem:s3], [sflag:s2] =	dma.local @!p0 [hbm:s0], s1  }
0xda: {  	s0 =	simm.s32 @!p0 $0x2  }
0xdb: {  	_ =	swait.ge @!p0 [sflag:s0], s1  }
0xdc: {  	s1 =	ssub.s32 @!p0 $0x0, s1;
	[sflag:s0] =	ssyncset.done @!p0 $0x0  }
0xdd: {  	[sflag:s0] =	ssyncadd.s32 @!p0 s1  }
0xde: {  	[bflag:$0x3] =	sbarrier.arrive $0xFFFF  }
0xdf: {  	_ =	shalt  }

</sc_bundles>
